<compile_context>
chip_gen: v7x
topology: tpu7x:2x2x1
jax: 0.10.2.dev20260603
libtpu: 0.0.44.dev20260713+nightly
codegen_flags: <defaults>
</compile_context>

<pallas_src>
import functools

import jax
import jax.numpy as jnp
from jax import lax
from jax.experimental import pallas as pl
from jax.experimental.pallas import tpu as pltpu
from jax.experimental.pallas import tpu_sc as plsc

_B, _T, _D = 4, 2048, 128
_NC, _NS, _L = 2, 16, 16
_NW = _NC * _NS
_R = _T // _NW


@jax.jit
def _sc_add(x, pos_table):
    mesh = plsc.VectorSubcoreMesh(core_axis_name="c", subcore_axis_name="s")

    @functools.partial(
        pl.kernel,
        out_type=jax.ShapeDtypeStruct((_B, _T, _D), jnp.float32),
        mesh=mesh,
        scratch_types=[
            pltpu.VMEM((_R, _D), jnp.float32),
            pltpu.VMEM((_B, _R, _D), jnp.float32),
            pltpu.SemaphoreType.DMA,
            pltpu.SemaphoreType.DMA,
        ],
    )
    def k(x_hbm, pos_hbm, out_hbm, pos_v, bufs, si, so):
        wid = lax.axis_index("s") * _NC + lax.axis_index("c")
        row0 = wid * _R
        pload = pltpu.async_copy(pos_hbm.at[pl.ds(row0, _R), :], pos_v, si)
        loads = []
        for b in range(_B):
            loads.append(
                pltpu.async_copy(x_hbm.at[b, pl.ds(row0, _R), :],
                                 bufs.at[b], si))
        pload.wait()
        for b in range(_B):
            loads[b].wait()
        stores = []
        hr = _R // 2
        for h in range(2):
            def body(r):
                for c in range(0, _D, _L):
                    p = pos_v.at[pl.ds(r, 1), pl.ds(c, _L)][...]
                    for b in range(_B):
                        plsc.addupdate(
                            bufs.at[b].at[pl.ds(r, 1), pl.ds(c, _L)], p)

            plsc.parallel_loop(h * hr, (h + 1) * hr, 1, unroll=2)(body)
            for b in range(_B):
                stores.append(
                    pltpu.async_copy(
                        bufs.at[b].at[pl.ds(h * hr, hr)],
                        out_hbm.at[b, pl.ds(row0 + h * hr, hr), :], so))
        for st in stores:
            st.wait()

    return k(x, pos_table)


def kernel(x, pos_table):
    return _sc_add(x, pos_table)

# --- scband reference (transcript-rebuilt; emitter-appended) ---
"""Pipeline reference for scband-token-and-position-embedding-45294725104043 (READ-ONLY COPY).

The authoritative reference and input builder live on the scoring server;
editing this copy changes nothing except your own understanding.
"""

import jax, jax.numpy as jnp
import numpy as np

MAXLEN = 2048
VOCAB_SIZE = 100000
EMBED_DIM = 128
BATCH = 4

def setup_inputs(seed: int = 0) -> dict:
    key = jax.random.key(seed)
    k1, k2 = jax.random.split(key)
    x = jax.random.normal(k1, (BATCH, MAXLEN, EMBED_DIM), dtype=jnp.float32)
    # learned positional embedding table: [maxlen, embed_dim]
    pos_table = jax.random.normal(k2, (MAXLEN, EMBED_DIM), dtype=jnp.float32) * 0.02
    return {"x": x, "pos_table": pos_table}

def reference(x, pos_table):
    # maxlen = tf.shape(x)[-1]  -> in the keras layer, positions index the seq axis
    maxlen = x.shape[1]
    positions = jnp.arange(0, maxlen, dtype=jnp.int32)
    pos = jnp.take(pos_table, positions, axis=0)  # embedding lookup [maxlen, embed_dim]
    return x + pos[None, :, :]

if __name__ == "__main__":
    import jax
    _d = setup_inputs()
    print(jax.jit(kernel)(*tuple(_d.values())))

</pallas_src>

<mosaic_0001>
#map = affine_map<(d0, d1) -> (0, 0, 0)>
#map1 = affine_map<(d0, d1) -> (0, 0)>
module attributes {stable_mosaic.version = 14 : i64} {
  func.func @k(%arg0: i32, %arg1: i32, %arg2: memref<4x2048x128xf32, #tpu.memory_space<hbm>>, %arg3: memref<2048x128xf32, #tpu.memory_space<hbm>>, %arg4: memref<4x2048x128xf32, #tpu.memory_space<hbm>>, %arg5: memref<64x128xf32, #tpu.memory_space<vmem>>, %arg6: memref<4x64x128xf32, #tpu.memory_space<vmem>>, %arg7: memref<!tpu.dma_semaphore, #tpu.memory_space<semaphore_mem>>, %arg8: memref<!tpu.dma_semaphore, #tpu.memory_space<semaphore_mem>>) attributes {dimension_semantics = [#tpu.dimension_semantics<core_parallel>, #tpu.dimension_semantics<subcore_parallel>], iteration_bounds = array<i64: 2, 16>, scalar_prefetch = 0 : i64, scratch_operands = 4 : i64, tpu.core_type = #tpu.core_type<sc_vector_subcore>, window_params = [{transform_indices = #map}, {transform_indices = #map1}, {transform_indices = #map}]} {
    %mul3A = arith.constant 2 : i32
    %mul3A_0 = arith.muli %arg1, %mul3A : i32
    %add3A = arith.addi %mul3A_0, %arg0 : i32
    %mul3A_1 = arith.constant 64 : i32
    %mul3A_2 = arith.muli %add3A, %mul3A_1 : i32
    %dma_start3A = arith.constant 0 : i32
    %dma_start3A_3 = tpu.memref_slice %arg3[%mul3A_2, %dma_start3A] : memref<2048x128xf32, #tpu.memory_space<hbm>> -> memref<64x128xf32, #tpu.memory_space<hbm>>
    %dma_start3A_4 = arith.constant 0 : i32
    %dma_start3A_5 = tpu.memref_slice %arg3[%mul3A_2, %dma_start3A_4] : memref<2048x128xf32, #tpu.memory_space<hbm>> -> memref<64x128xf32, #tpu.memory_space<hbm>>
    tpu.enqueue_dma source(%dma_start3A_5 : memref<64x128xf32, #tpu.memory_space<hbm>>) target(%arg5 : memref<64x128xf32, #tpu.memory_space<vmem>>) target_semaphore(%arg7 : memref<!tpu.dma_semaphore, #tpu.memory_space<semaphore_mem>>)
    %dma_start3A_6 = arith.constant 0 : i32
    %dma_start3A_7 = arith.constant 0 : i32
    %dma_start3A_8 = arith.constant 0 : i32
    %dma_start3A_9 = arith.constant 0 : i32
    %dma_start3A_10 = tpu.memref_slice %arg6[%dma_start3A_7, %dma_start3A_8, %dma_start3A_9] : memref<4x64x128xf32, #tpu.memory_space<vmem>> -> memref<1x64x128xf32, #tpu.memory_space<vmem>>
    %dma_start3A_11 = tpu.memref_squeeze %dma_start3A_10 : memref<1x64x128xf32, #tpu.memory_space<vmem>> -> memref<64x128xf32, #tpu.memory_space<vmem>>
    %dma_start3A_12 = arith.constant 0 : i32
    %dma_start3A_13 = tpu.memref_slice %arg2[%dma_start3A_6, %mul3A_2, %dma_start3A_12] : memref<4x2048x128xf32, #tpu.memory_space<hbm>> -> memref<1x64x128xf32, #tpu.memory_space<hbm>>
    %dma_start3A_14 = tpu.memref_squeeze %dma_start3A_13 : memref<1x64x128xf32, #tpu.memory_space<hbm>> -> memref<64x128xf32, #tpu.memory_space<hbm>>
    %dma_start3A_15 = arith.constant 0 : i32
    %dma_start3A_16 = arith.constant 0 : i32
    %dma_start3A_17 = tpu.memref_slice %arg6[%dma_start3A_7, %dma_start3A_15, %dma_start3A_16] : memref<4x64x128xf32, #tpu.memory_space<vmem>> -> memref<1x64x128xf32, #tpu.memory_space<vmem>>
    %dma_start3A_18 = tpu.memref_squeeze %dma_start3A_17 : memref<1x64x128xf32, #tpu.memory_space<vmem>> -> memref<64x128xf32, #tpu.memory_space<vmem>>
    %dma_start3A_19 = arith.constant 0 : i32
    %dma_start3A_20 = tpu.memref_slice %arg2[%dma_start3A_6, %mul3A_2, %dma_start3A_19] : memref<4x2048x128xf32, #tpu.memory_space<hbm>> -> memref<1x64x128xf32, #tpu.memory_space<hbm>>
    %dma_start3A_21 = tpu.memref_squeeze %dma_start3A_20 : memref<1x64x128xf32, #tpu.memory_space<hbm>> -> memref<64x128xf32, #tpu.memory_space<hbm>>
    tpu.enqueue_dma source(%dma_start3A_21 : memref<64x128xf32, #tpu.memory_space<hbm>>) target(%dma_start3A_18 : memref<64x128xf32, #tpu.memory_space<vmem>>) target_semaphore(%arg7 : memref<!tpu.dma_semaphore, #tpu.memory_space<semaphore_mem>>)
    %dma_start3A_22 = arith.constant 1 : i32
    %dma_start3A_23 = arith.constant 1 : i32
    %dma_start3A_24 = arith.constant 0 : i32
    %dma_start3A_25 = arith.constant 0 : i32
    %dma_start3A_26 = tpu.memref_slice %arg6[%dma_start3A_23, %dma_start3A_24, %dma_start3A_25] : memref<4x64x128xf32, #tpu.memory_space<vmem>> -> memref<1x64x128xf32, #tpu.memory_space<vmem>>
    %dma_start3A_27 = tpu.memref_squeeze %dma_start3A_26 : memref<1x64x128xf32, #tpu.memory_space<vmem>> -> memref<64x128xf32, #tpu.memory_space<vmem>>
    %dma_start3A_28 = arith.constant 0 : i32
    %dma_start3A_29 = tpu.memref_slice %arg2[%dma_start3A_22, %mul3A_2, %dma_start3A_28] : memref<4x2048x128xf32, #tpu.memory_space<hbm>> -> memref<1x64x128xf32, #tpu.memory_space<hbm>>
    %dma_start3A_30 = tpu.memref_squeeze %dma_start3A_29 : memref<1x64x128xf32, #tpu.memory_space<hbm>> -> memref<64x128xf32, #tpu.memory_space<hbm>>
    %dma_start3A_31 = arith.constant 0 : i32
    %dma_start3A_32 = arith.constant 0 : i32
    %dma_start3A_33 = tpu.memref_slice %arg6[%dma_start3A_23, %dma_start3A_31, %dma_start3A_32] : memref<4x64x128xf32, #tpu.memory_space<vmem>> -> memref<1x64x128xf32, #tpu.memory_space<vmem>>
    %dma_start3A_34 = tpu.memref_squeeze %dma_start3A_33 : memref<1x64x128xf32, #tpu.memory_space<vmem>> -> memref<64x128xf32, #tpu.memory_space<vmem>>
    %dma_start3A_35 = arith.constant 0 : i32
    %dma_start3A_36 = tpu.memref_slice %arg2[%dma_start3A_22, %mul3A_2, %dma_start3A_35] : memref<4x2048x128xf32, #tpu.memory_space<hbm>> -> memref<1x64x128xf32, #tpu.memory_space<hbm>>
    %dma_start3A_37 = tpu.memref_squeeze %dma_start3A_36 : memref<1x64x128xf32, #tpu.memory_space<hbm>> -> memref<64x128xf32, #tpu.memory_space<hbm>>
    tpu.enqueue_dma source(%dma_start3A_37 : memref<64x128xf32, #tpu.memory_space<hbm>>) target(%dma_start3A_34 : memref<64x128xf32, #tpu.memory_space<vmem>>) target_semaphore(%arg7 : memref<!tpu.dma_semaphore, #tpu.memory_space<semaphore_mem>>)
    %dma_start3A_38 = arith.constant 2 : i32
    %dma_start3A_39 = arith.constant 2 : i32
    %dma_start3A_40 = arith.constant 0 : i32
    %dma_start3A_41 = arith.constant 0 : i32
    %dma_start3A_42 = tpu.memref_slice %arg6[%dma_start3A_39, %dma_start3A_40, %dma_start3A_41] : memref<4x64x128xf32, #tpu.memory_space<vmem>> -> memref<1x64x128xf32, #tpu.memory_space<vmem>>
    %dma_start3A_43 = tpu.memref_squeeze %dma_start3A_42 : memref<1x64x128xf32, #tpu.memory_space<vmem>> -> memref<64x128xf32, #tpu.memory_space<vmem>>
    %dma_start3A_44 = arith.constant 0 : i32
    %dma_start3A_45 = tpu.memref_slice %arg2[%dma_start3A_38, %mul3A_2, %dma_start3A_44] : memref<4x2048x128xf32, #tpu.memory_space<hbm>> -> memref<1x64x128xf32, #tpu.memory_space<hbm>>
    %dma_start3A_46 = tpu.memref_squeeze %dma_start3A_45 : memref<1x64x128xf32, #tpu.memory_space<hbm>> -> memref<64x128xf32, #tpu.memory_space<hbm>>
    %dma_start3A_47 = arith.constant 0 : i32
    %dma_start3A_48 = arith.constant 0 : i32
    %dma_start3A_49 = tpu.memref_slice %arg6[%dma_start3A_39, %dma_start3A_47, %dma_start3A_48] : memref<4x64x128xf32, #tpu.memory_space<vmem>> -> memref<1x64x128xf32, #tpu.memory_space<vmem>>
    %dma_start3A_50 = tpu.memref_squeeze %dma_start3A_49 : memref<1x64x128xf32, #tpu.memory_space<vmem>> -> memref<64x128xf32, #tpu.memory_space<vmem>>
    %dma_start3A_51 = arith.constant 0 : i32
    %dma_start3A_52 = tpu.memref_slice %arg2[%dma_start3A_38, %mul3A_2, %dma_start3A_51] : memref<4x2048x128xf32, #tpu.memory_space<hbm>> -> memref<1x64x128xf32, #tpu.memory_space<hbm>>
    %dma_start3A_53 = tpu.memref_squeeze %dma_start3A_52 : memref<1x64x128xf32, #tpu.memory_space<hbm>> -> memref<64x128xf32, #tpu.memory_space<hbm>>
    tpu.enqueue_dma source(%dma_start3A_53 : memref<64x128xf32, #tpu.memory_space<hbm>>) target(%dma_start3A_50 : memref<64x128xf32, #tpu.memory_space<vmem>>) target_semaphore(%arg7 : memref<!tpu.dma_semaphore, #tpu.memory_space<semaphore_mem>>)
    %dma_start3A_54 = arith.constant 3 : i32
    %dma_start3A_55 = arith.constant 3 : i32
    %dma_start3A_56 = arith.constant 0 : i32
    %dma_start3A_57 = arith.constant 0 : i32
    %dma_start3A_58 = tpu.memref_slice %arg6[%dma_start3A_55, %dma_start3A_56, %dma_start3A_57] : memref<4x64x128xf32, #tpu.memory_space<vmem>> -> memref<1x64x128xf32, #tpu.memory_space<vmem>>
    %dma_start3A_59 = tpu.memref_squeeze %dma_start3A_58 : memref<1x64x128xf32, #tpu.memory_space<vmem>> -> memref<64x128xf32, #tpu.memory_space<vmem>>
    %dma_start3A_60 = arith.constant 0 : i32
    %dma_start3A_61 = tpu.memref_slice %arg2[%dma_start3A_54, %mul3A_2, %dma_start3A_60] : memref<4x2048x128xf32, #tpu.memory_space<hbm>> -> memref<1x64x128xf32, #tpu.memory_space<hbm>>
    %dma_start3A_62 = tpu.memref_squeeze %dma_start3A_61 : memref<1x64x128xf32, #tpu.memory_space<hbm>> -> memref<64x128xf32, #tpu.memory_space<hbm>>
    %dma_start3A_63 = arith.constant 0 : i32
    %dma_start3A_64 = arith.constant 0 : i32
    %dma_start3A_65 = tpu.memref_slice %arg6[%dma_start3A_55, %dma_start3A_63, %dma_start3A_64] : memref<4x64x128xf32, #tpu.memory_space<vmem>> -> memref<1x64x128xf32, #tpu.memory_space<vmem>>
    %dma_start3A_66 = tpu.memref_squeeze %dma_start3A_65 : memref<1x64x128xf32, #tpu.memory_space<vmem>> -> memref<64x128xf32, #tpu.memory_space<vmem>>
    %dma_start3A_67 = arith.constant 0 : i32
    %dma_start3A_68 = tpu.memref_slice %arg2[%dma_start3A_54, %mul3A_2, %dma_start3A_67] : memref<4x2048x128xf32, #tpu.memory_space<hbm>> -> memref<1x64x128xf32, #tpu.memory_space<hbm>>
    %dma_start3A_69 = tpu.memref_squeeze %dma_start3A_68 : memref<1x64x128xf32, #tpu.memory_space<hbm>> -> memref<64x128xf32, #tpu.memory_space<hbm>>
    tpu.enqueue_dma source(%dma_start3A_69 : memref<64x128xf32, #tpu.memory_space<hbm>>) target(%dma_start3A_66 : memref<64x128xf32, #tpu.memory_space<vmem>>) target_semaphore(%arg7 : memref<!tpu.dma_semaphore, #tpu.memory_space<semaphore_mem>>)
    %dma_wait3A = arith.constant 0 : i32
    %dma_wait3A_70 = tpu.memref_slice %arg3[%mul3A_2, %dma_wait3A] : memref<2048x128xf32, #tpu.memory_space<hbm>> -> memref<64x128xf32, #tpu.memory_space<hbm>>
    %dma_wait3A_71 = arith.constant 0 : i32
    %dma_wait3A_72 = tpu.memref_slice %arg3[%mul3A_2, %dma_wait3A_71] : memref<2048x128xf32, #tpu.memory_space<hbm>> -> memref<64x128xf32, #tpu.memory_space<hbm>>
    tpu.wait_dma2 semaphore(%arg7 : memref<!tpu.dma_semaphore, #tpu.memory_space<semaphore_mem>>) src(%dma_wait3A_72 : memref<64x128xf32, #tpu.memory_space<hbm>>) dst(%arg5 : memref<64x128xf32, #tpu.memory_space<vmem>>)
    %dma_wait3A_73 = arith.constant 0 : i32
    %dma_wait3A_74 = arith.constant 0 : i32
    %dma_wait3A_75 = arith.constant 0 : i32
    %dma_wait3A_76 = arith.constant 0 : i32
    %dma_wait3A_77 = tpu.memref_slice %arg6[%dma_wait3A_74, %dma_wait3A_75, %dma_wait3A_76] : memref<4x64x128xf32, #tpu.memory_space<vmem>> -> memref<1x64x128xf32, #tpu.memory_space<vmem>>
    %dma_wait3A_78 = tpu.memref_squeeze %dma_wait3A_77 : memref<1x64x128xf32, #tpu.memory_space<vmem>> -> memref<64x128xf32, #tpu.memory_space<vmem>>
    %dma_wait3A_79 = arith.constant 0 : i32
    %dma_wait3A_80 = tpu.memref_slice %arg2[%dma_wait3A_73, %mul3A_2, %dma_wait3A_79] : memref<4x2048x128xf32, #tpu.memory_space<hbm>> -> memref<1x64x128xf32, #tpu.memory_space<hbm>>
    %dma_wait3A_81 = tpu.memref_squeeze %dma_wait3A_80 : memref<1x64x128xf32, #tpu.memory_space<hbm>> -> memref<64x128xf32, #tpu.memory_space<hbm>>
    %dma_wait3A_82 = arith.constant 0 : i32
    %dma_wait3A_83 = arith.constant 0 : i32
    %dma_wait3A_84 = tpu.memref_slice %arg6[%dma_wait3A_74, %dma_wait3A_82, %dma_wait3A_83] : memref<4x64x128xf32, #tpu.memory_space<vmem>> -> memref<1x64x128xf32, #tpu.memory_space<vmem>>
    %dma_wait3A_85 = tpu.memref_squeeze %dma_wait3A_84 : memref<1x64x128xf32, #tpu.memory_space<vmem>> -> memref<64x128xf32, #tpu.memory_space<vmem>>
    %dma_wait3A_86 = arith.constant 0 : i32
    %dma_wait3A_87 = tpu.memref_slice %arg2[%dma_wait3A_73, %mul3A_2, %dma_wait3A_86] : memref<4x2048x128xf32, #tpu.memory_space<hbm>> -> memref<1x64x128xf32, #tpu.memory_space<hbm>>
    %dma_wait3A_88 = tpu.memref_squeeze %dma_wait3A_87 : memref<1x64x128xf32, #tpu.memory_space<hbm>> -> memref<64x128xf32, #tpu.memory_space<hbm>>
    tpu.wait_dma2 semaphore(%arg7 : memref<!tpu.dma_semaphore, #tpu.memory_space<semaphore_mem>>) src(%dma_wait3A_88 : memref<64x128xf32, #tpu.memory_space<hbm>>) dst(%dma_wait3A_85 : memref<64x128xf32, #tpu.memory_space<vmem>>)
    %dma_wait3A_89 = arith.constant 1 : i32
    %dma_wait3A_90 = arith.constant 1 : i32
    %dma_wait3A_91 = arith.constant 0 : i32
    %dma_wait3A_92 = arith.constant 0 : i32
    %dma_wait3A_93 = tpu.memref_slice %arg6[%dma_wait3A_90, %dma_wait3A_91, %dma_wait3A_92] : memref<4x64x128xf32, #tpu.memory_space<vmem>> -> memref<1x64x128xf32, #tpu.memory_space<vmem>>
    %dma_wait3A_94 = tpu.memref_squeeze %dma_wait3A_93 : memref<1x64x128xf32, #tpu.memory_space<vmem>> -> memref<64x128xf32, #tpu.memory_space<vmem>>
    %dma_wait3A_95 = arith.constant 0 : i32
    %dma_wait3A_96 = tpu.memref_slice %arg2[%dma_wait3A_89, %mul3A_2, %dma_wait3A_95] : memref<4x2048x128xf32, #tpu.memory_space<hbm>> -> memref<1x64x128xf32, #tpu.memory_space<hbm>>
    %dma_wait3A_97 = tpu.memref_squeeze %dma_wait3A_96 : memref<1x64x128xf32, #tpu.memory_space<hbm>> -> memref<64x128xf32, #tpu.memory_space<hbm>>
    %dma_wait3A_98 = arith.constant 0 : i32
    %dma_wait3A_99 = arith.constant 0 : i32
    %dma_wait3A_100 = tpu.memref_slice %arg6[%dma_wait3A_90, %dma_wait3A_98, %dma_wait3A_99] : memref<4x64x128xf32, #tpu.memory_space<vmem>> -> memref<1x64x128xf32, #tpu.memory_space<vmem>>
    %dma_wait3A_101 = tpu.memref_squeeze %dma_wait3A_100 : memref<1x64x128xf32, #tpu.memory_space<vmem>> -> memref<64x128xf32, #tpu.memory_space<vmem>>
    %dma_wait3A_102 = arith.constant 0 : i32
    %dma_wait3A_103 = tpu.memref_slice %arg2[%dma_wait3A_89, %mul3A_2, %dma_wait3A_102] : memref<4x2048x128xf32, #tpu.memory_space<hbm>> -> memref<1x64x128xf32, #tpu.memory_space<hbm>>
    %dma_wait3A_104 = tpu.memref_squeeze %dma_wait3A_103 : memref<1x64x128xf32, #tpu.memory_space<hbm>> -> memref<64x128xf32, #tpu.memory_space<hbm>>
    tpu.wait_dma2 semaphore(%arg7 : memref<!tpu.dma_semaphore, #tpu.memory_space<semaphore_mem>>) src(%dma_wait3A_104 : memref<64x128xf32, #tpu.memory_space<hbm>>) dst(%dma_wait3A_101 : memref<64x128xf32, #tpu.memory_space<vmem>>)
    %dma_wait3A_105 = arith.constant 2 : i32
    %dma_wait3A_106 = arith.constant 2 : i32
    %dma_wait3A_107 = arith.constant 0 : i32
    %dma_wait3A_108 = arith.constant 0 : i32
    %dma_wait3A_109 = tpu.memref_slice %arg6[%dma_wait3A_106, %dma_wait3A_107, %dma_wait3A_108] : memref<4x64x128xf32, #tpu.memory_space<vmem>> -> memref<1x64x128xf32, #tpu.memory_space<vmem>>
    %dma_wait3A_110 = tpu.memref_squeeze %dma_wait3A_109 : memref<1x64x128xf32, #tpu.memory_space<vmem>> -> memref<64x128xf32, #tpu.memory_space<vmem>>
    %dma_wait3A_111 = arith.constant 0 : i32
    %dma_wait3A_112 = tpu.memref_slice %arg2[%dma_wait3A_105, %mul3A_2, %dma_wait3A_111] : memref<4x2048x128xf32, #tpu.memory_space<hbm>> -> memref<1x64x128xf32, #tpu.memory_space<hbm>>
    %dma_wait3A_113 = tpu.memref_squeeze %dma_wait3A_112 : memref<1x64x128xf32, #tpu.memory_space<hbm>> -> memref<64x128xf32, #tpu.memory_space<hbm>>
    %dma_wait3A_114 = arith.constant 0 : i32
    %dma_wait3A_115 = arith.constant 0 : i32
    %dma_wait3A_116 = tpu.memref_slice %arg6[%dma_wait3A_106, %dma_wait3A_114, %dma_wait3A_115] : memref<4x64x128xf32, #tpu.memory_space<vmem>> -> memref<1x64x128xf32, #tpu.memory_space<vmem>>
    %dma_wait3A_117 = tpu.memref_squeeze %dma_wait3A_116 : memref<1x64x128xf32, #tpu.memory_space<vmem>> -> memref<64x128xf32, #tpu.memory_space<vmem>>
    %dma_wait3A_118 = arith.constant 0 : i32
    %dma_wait3A_119 = tpu.memref_slice %arg2[%dma_wait3A_105, %mul3A_2, %dma_wait3A_118] : memref<4x2048x128xf32, #tpu.memory_space<hbm>> -> memref<1x64x128xf32, #tpu.memory_space<hbm>>
    %dma_wait3A_120 = tpu.memref_squeeze %dma_wait3A_119 : memref<1x64x128xf32, #tpu.memory_space<hbm>> -> memref<64x128xf32, #tpu.memory_space<hbm>>
    tpu.wait_dma2 semaphore(%arg7 : memref<!tpu.dma_semaphore, #tpu.memory_space<semaphore_mem>>) src(%dma_wait3A_120 : memref<64x128xf32, #tpu.memory_space<hbm>>) dst(%dma_wait3A_117 : memref<64x128xf32, #tpu.memory_space<vmem>>)
    %dma_wait3A_121 = arith.constant 3 : i32
    %dma_wait3A_122 = arith.constant 3 : i32
    %dma_wait3A_123 = arith.constant 0 : i32
    %dma_wait3A_124 = arith.constant 0 : i32
    %dma_wait3A_125 = tpu.memref_slice %arg6[%dma_wait3A_122, %dma_wait3A_123, %dma_wait3A_124] : memref<4x64x128xf32, #tpu.memory_space<vmem>> -> memref<1x64x128xf32, #tpu.memory_space<vmem>>
    %dma_wait3A_126 = tpu.memref_squeeze %dma_wait3A_125 : memref<1x64x128xf32, #tpu.memory_space<vmem>> -> memref<64x128xf32, #tpu.memory_space<vmem>>
    %dma_wait3A_127 = arith.constant 0 : i32
    %dma_wait3A_128 = tpu.memref_slice %arg2[%dma_wait3A_121, %mul3A_2, %dma_wait3A_127] : memref<4x2048x128xf32, #tpu.memory_space<hbm>> -> memref<1x64x128xf32, #tpu.memory_space<hbm>>
    %dma_wait3A_129 = tpu.memref_squeeze %dma_wait3A_128 : memref<1x64x128xf32, #tpu.memory_space<hbm>> -> memref<64x128xf32, #tpu.memory_space<hbm>>
    %dma_wait3A_130 = arith.constant 0 : i32
    %dma_wait3A_131 = arith.constant 0 : i32
    %dma_wait3A_132 = tpu.memref_slice %arg6[%dma_wait3A_122, %dma_wait3A_130, %dma_wait3A_131] : memref<4x64x128xf32, #tpu.memory_space<vmem>> -> memref<1x64x128xf32, #tpu.memory_space<vmem>>
    %dma_wait3A_133 = tpu.memref_squeeze %dma_wait3A_132 : memref<1x64x128xf32, #tpu.memory_space<vmem>> -> memref<64x128xf32, #tpu.memory_space<vmem>>
    %dma_wait3A_134 = arith.constant 0 : i32
    %dma_wait3A_135 = tpu.memref_slice %arg2[%dma_wait3A_121, %mul3A_2, %dma_wait3A_134] : memref<4x2048x128xf32, #tpu.memory_space<hbm>> -> memref<1x64x128xf32, #tpu.memory_space<hbm>>
    %dma_wait3A_136 = tpu.memref_squeeze %dma_wait3A_135 : memref<1x64x128xf32, #tpu.memory_space<hbm>> -> memref<64x128xf32, #tpu.memory_space<hbm>>
    tpu.wait_dma2 semaphore(%arg7 : memref<!tpu.dma_semaphore, #tpu.memory_space<semaphore_mem>>) src(%dma_wait3A_136 : memref<64x128xf32, #tpu.memory_space<hbm>>) dst(%dma_wait3A_133 : memref<64x128xf32, #tpu.memory_space<vmem>>)
    %parallel_loop3A = arith.constant 0 : i32
    %parallel_loop3A_137 = arith.constant 32 : i32
    %parallel_loop3A_138 = arith.constant 1 : i32
    scf.for %parallel_loop3A_510 = %parallel_loop3A to %parallel_loop3A_137 step %parallel_loop3A_138  : i32 {
      %parallel_loop3A_511 = arith.index_cast %parallel_loop3A_510 : i32 to index
      %parallel_loop3A_512 = arith.constant 0 : index
      %parallel_loop3A_513 = tpu.vector_load %arg5[%parallel_loop3A_511, %parallel_loop3A_512] {strides = array<i32>} : memref<64x128xf32, #tpu.memory_space<vmem>>, vector<1x16xf32>,
      %parallel_loop3A_514 = vector.shape_cast %parallel_loop3A_513 : vector<1x16xf32> to vector<1x16xf32>
      %parallel_loop3A_515 = arith.constant 0 : i32
      %parallel_loop3A_516 = arith.constant 0 : i32
      %parallel_loop3A_517 = arith.constant 0 : i32
      %parallel_loop3A_518 = tpu.memref_slice %arg6[%parallel_loop3A_515, %parallel_loop3A_516, %parallel_loop3A_517] : memref<4x64x128xf32, #tpu.memory_space<vmem>> -> memref<1x64x128xf32, #tpu.memory_space<vmem>>
      %parallel_loop3A_519 = tpu.memref_squeeze %parallel_loop3A_518 : memref<1x64x128xf32, #tpu.memory_space<vmem>> -> memref<64x128xf32, #tpu.memory_space<vmem>>
      %parallel_loop3A_520 = arith.index_cast %parallel_loop3A_510 : i32 to index
      %parallel_loop3A_521 = arith.constant 0 : index
      %parallel_loop3A_522 = tpu.vector_load %parallel_loop3A_519[%parallel_loop3A_520, %parallel_loop3A_521] {strides = array<i32>} : memref<64x128xf32, #tpu.memory_space<vmem>>, vector<1x16xf32>,
      %parallel_loop3A_523 = vector.shape_cast %parallel_loop3A_522 : vector<1x16xf32> to vector<1x16xf32>
      %parallel_loop3A_524 = vector.shape_cast %parallel_loop3A_514 : vector<1x16xf32> to vector<1x16xf32>
      tpu.vector_store %parallel_loop3A_519[%parallel_loop3A_520, %parallel_loop3A_521], %parallel_loop3A_524 {add = true, strides = array<i32>} : memref<64x128xf32, #tpu.memory_space<vmem>>, vector<1x16xf32>,
      %parallel_loop3A_525 = arith.constant 1 : i32
      %parallel_loop3A_526 = arith.constant 0 : i32
      %parallel_loop3A_527 = arith.constant 0 : i32
      %parallel_loop3A_528 = tpu.memref_slice %arg6[%parallel_loop3A_525, %parallel_loop3A_526, %parallel_loop3A_527] : memref<4x64x128xf32, #tpu.memory_space<vmem>> -> memref<1x64x128xf32, #tpu.memory_space<vmem>>
      %parallel_loop3A_529 = tpu.memref_squeeze %parallel_loop3A_528 : memref<1x64x128xf32, #tpu.memory_space<vmem>> -> memref<64x128xf32, #tpu.memory_space<vmem>>
      %parallel_loop3A_530 = arith.index_cast %parallel_loop3A_510 : i32 to index
      %parallel_loop3A_531 = arith.constant 0 : index
      %parallel_loop3A_532 = tpu.vector_load %parallel_loop3A_529[%parallel_loop3A_530, %parallel_loop3A_531] {strides = array<i32>} : memref<64x128xf32, #tpu.memory_space<vmem>>, vector<1x16xf32>,
      %parallel_loop3A_533 = vector.shape_cast %parallel_loop3A_532 : vector<1x16xf32> to vector<1x16xf32>
      %parallel_loop3A_534 = vector.shape_cast %parallel_loop3A_514 : vector<1x16xf32> to vector<1x16xf32>
      tpu.vector_store %parallel_loop3A_529[%parallel_loop3A_530, %parallel_loop3A_531], %parallel_loop3A_534 {add = true, strides = array<i32>} : memref<64x128xf32, #tpu.memory_space<vmem>>, vector<1x16xf32>,
      %parallel_loop3A_535 = arith.constant 2 : i32
      %parallel_loop3A_536 = arith.constant 0 : i32
      %parallel_loop3A_537 = arith.constant 0 : i32
      %parallel_loop3A_538 = tpu.memref_slice %arg6[%parallel_loop3A_535, %parallel_loop3A_536, %parallel_loop3A_537] : memref<4x64x128xf32, #tpu.memory_space<vmem>> -> memref<1x64x128xf32, #tpu.memory_space<vmem>>
      %parallel_loop3A_539 = tpu.memref_squeeze %parallel_loop3A_538 : memref<1x64x128xf32, #tpu.memory_space<vmem>> -> memref<64x128xf32, #tpu.memory_space<vmem>>
      %parallel_loop3A_540 = arith.index_cast %parallel_loop3A_510 : i32 to index
      %parallel_loop3A_541 = arith.constant 0 : index
      %parallel_loop3A_542 = tpu.vector_load %parallel_loop3A_539[%parallel_loop3A_540, %parallel_loop3A_541] {strides = array<i32>} : memref<64x128xf32, #tpu.memory_space<vmem>>, vector<1x16xf32>,
      %parallel_loop3A_543 = vector.shape_cast %parallel_loop3A_542 : vector<1x16xf32> to vector<1x16xf32>
      %parallel_loop3A_544 = vector.shape_cast %parallel_loop3A_514 : vector<1x16xf32> to vector<1x16xf32>
      tpu.vector_store %parallel_loop3A_539[%parallel_loop3A_540, %parallel_loop3A_541], %parallel_loop3A_544 {add = true, strides = array<i32>} : memref<64x128xf32, #tpu.memory_space<vmem>>, vector<1x16xf32>,
      %parallel_loop3A_545 = arith.constant 3 : i32
      %parallel_loop3A_546 = arith.constant 0 : i32
      %parallel_loop3A_547 = arith.constant 0 : i32
      %parallel_loop3A_548 = tpu.memref_slice %arg6[%parallel_loop3A_545, %parallel_loop3A_546, %parallel_loop3A_547] : memref<4x64x128xf32, #tpu.memory_space<vmem>> -> memref<1x64x128xf32, #tpu.memory_space<vmem>>
      %parallel_loop3A_549 = tpu.memref_squeeze %parallel_loop3A_548 : memref<1x64x128xf32, #tpu.memory_space<vmem>> -> memref<64x128xf32, #tpu.memory_space<vmem>>
      %parallel_loop3A_550 = arith.index_cast %parallel_loop3A_510 : i32 to index
      %parallel_loop3A_551 = arith.constant 0 : index
      %parallel_loop3A_552 = tpu.vector_load %parallel_loop3A_549[%parallel_loop3A_550, %parallel_loop3A_551] {strides = array<i32>} : memref<64x128xf32, #tpu.memory_space<vmem>>, vector<1x16xf32>,
      %parallel_loop3A_553 = vector.shape_cast %parallel_loop3A_552 : vector<1x16xf32> to vector<1x16xf32>
      %parallel_loop3A_554 = vector.shape_cast %parallel_loop3A_514 : vector<1x16xf32> to vector<1x16xf32>
      tpu.vector_store %parallel_loop3A_549[%parallel_loop3A_550, %parallel_loop3A_551], %parallel_loop3A_554 {add = true, strides = array<i32>} : memref<64x128xf32, #tpu.memory_space<vmem>>, vector<1x16xf32>,
      %parallel_loop3A_555 = arith.index_cast %parallel_loop3A_510 : i32 to index
      %parallel_loop3A_556 = arith.constant 16 : index
      %parallel_loop3A_557 = tpu.vector_load %arg5[%parallel_loop3A_555, %parallel_loop3A_556] {strides = array<i32>} : memref<64x128xf32, #tpu.memory_space<vmem>>, vector<1x16xf32>,
      %parallel_loop3A_558 = vector.shape_cast %parallel_loop3A_557 : vector<1x16xf32> to vector<1x16xf32>
      %parallel_loop3A_559 = arith.constant 0 : i32
      %parallel_loop3A_560 = arith.constant 0 : i32
      %parallel_loop3A_561 = arith.constant 0 : i32
      %parallel_loop3A_562 = tpu.memref_slice %arg6[%parallel_loop3A_559, %parallel_loop3A_560, %parallel_loop3A_561] : memref<4x64x128xf32, #tpu.memory_space<vmem>> -> memref<1x64x128xf32, #tpu.memory_space<vmem>>
      %parallel_loop3A_563 = tpu.memref_squeeze %parallel_loop3A_562 : memref<1x64x128xf32, #tpu.memory_space<vmem>> -> memref<64x128xf32, #tpu.memory_space<vmem>>
      %parallel_loop3A_564 = arith.index_cast %parallel_loop3A_510 : i32 to index
      %parallel_loop3A_565 = arith.constant 16 : index
      %parallel_loop3A_566 = tpu.vector_load %parallel_loop3A_563[%parallel_loop3A_564, %parallel_loop3A_565] {strides = array<i32>} : memref<64x128xf32, #tpu.memory_space<vmem>>, vector<1x16xf32>,
      %parallel_loop3A_567 = vector.shape_cast %parallel_loop3A_566 : vector<1x16xf32> to vector<1x16xf32>
      %parallel_loop3A_568 = vector.shape_cast %parallel_loop3A_558 : vector<1x16xf32> to vector<1x16xf32>
      tpu.vector_store %parallel_loop3A_563[%parallel_loop3A_564, %parallel_loop3A_565], %parallel_loop3A_568 {add = true, strides = array<i32>} : memref<64x128xf32, #tpu.memory_space<vmem>>, vector<1x16xf32>,
      %parallel_loop3A_569 = arith.constant 1 : i32
      %parallel_loop3A_570 = arith.constant 0 : i32
      %parallel_loop3A_571 = arith.constant 0 : i32
      %parallel_loop3A_572 = tpu.memref_slice %arg6[%parallel_loop3A_569, %parallel_loop3A_570, %parallel_loop3A_571] : memref<4x64x128xf32, #tpu.memory_space<vmem>> -> memref<1x64x128xf32, #tpu.memory_space<vmem>>
      %parallel_loop3A_573 = tpu.memref_squeeze %parallel_loop3A_572 : memref<1x64x128xf32, #tpu.memory_space<vmem>> -> memref<64x128xf32, #tpu.memory_space<vmem>>
      %parallel_loop3A_574 = arith.index_cast %parallel_loop3A_510 : i32 to index
      %parallel_loop3A_575 = arith.constant 16 : index
      %parallel_loop3A_576 = tpu.vector_load %parallel_loop3A_573[%parallel_loop3A_574, %parallel_loop3A_575] {strides = array<i32>} : memref<64x128xf32, #tpu.memory_space<vmem>>, vector<1x16xf32>,
      %parallel_loop3A_577 = vector.shape_cast %parallel_loop3A_576 : vector<1x16xf32> to vector<1x16xf32>
      %parallel_loop3A_578 = vector.shape_cast %parallel_loop3A_558 : vector<1x16xf32> to vector<1x16xf32>
      tpu.vector_store %parallel_loop3A_573[%parallel_loop3A_574, %parallel_loop3A_575], %parallel_loop3A_578 {add = true, strides = array<i32>} : memref<64x128xf32, #tpu.memory_space<vmem>>, vector<1x16xf32>,
      %parallel_loop3A_579 = arith.constant 2 : i32
      %parallel_loop3A_580 = arith.constant 0 : i32
      %parallel_loop3A_581 = arith.constant 0 : i32
      %parallel_loop3A_582 = tpu.memref_slice %arg6[%parallel_loop3A_579, %parallel_loop3A_580, %parallel_loop3A_581] : memref<4x64x128xf32, #tpu.memory_space<vmem>> -> memref<1x64x128xf32, #tpu.memory_space<vmem>>
      %parallel_loop3A_583 = tpu.memref_squeeze %parallel_loop3A_582 : memref<1x64x128xf32, #tpu.memory_space<vmem>> -> memref<64x128xf32, #tpu.memory_space<vmem>>
      %parallel_loop3A_584 = arith.index_cast %parallel_loop3A_510 : i32 to index
      %parallel_loop3A_585 = arith.constant 16 : index
      %parallel_loop3A_586 = tpu.vector_load %parallel_loop3A_583[%parallel_loop3A_584, %parallel_loop3A_585] {strides = array<i32>} : memref<64x128xf32, #tpu.memory_space<vmem>>, vector<1x16xf32>,
      %parallel_loop3A_587 = vector.shape_cast %parallel_loop3A_586 : vector<1x16xf32> to vector<1x16xf32>
      %parallel_loop3A_588 = vector.shape_cast %parallel_loop3A_558 : vector<1x16xf32> to vector<1x16xf32>
      tpu.vector_store %parallel_loop3A_583[%parallel_loop3A_584, %parallel_loop3A_585], %parallel_loop3A_588 {add = true, strides = array<i32>} : memref<64x128xf32, #tpu.memory_space<vmem>>, vector<1x16xf32>,
      %parallel_loop3A_589 = arith.constant 3 : i32
      %parallel_loop3A_590 = arith.constant 0 : i32
      %parallel_loop3A_591 = arith.constant 0 : i32
      %parallel_loop3A_592 = tpu.memref_slice %arg6[%parallel_loop3A_589, %parallel_loop3A_590, %parallel_loop3A_591] : memref<4x64x128xf32, #tpu.memory_space<vmem>> -> memref<1x64x128xf32, #tpu.memory_space<vmem>>
      %parallel_loop3A_593 = tpu.memref_squeeze %parallel_loop3A_592 : memref<1x64x128xf32, #tpu.memory_space<vmem>> -> memref<64x128xf32, #tpu.memory_space<vmem>>
      %parallel_loop3A_594 = arith.index_cast %parallel_loop3A_510 : i32 to index
      %parallel_loop3A_595 = arith.constant 16 : index
      %parallel_loop3A_596 = tpu.vector_load %parallel_loop3A_593[%parallel_loop3A_594, %parallel_loop3A_595] {strides = array<i32>} : memref<64x128xf32, #tpu.memory_space<vmem>>, vector<1x16xf32>,
      %parallel_loop3A_597 = vector.shape_cast %parallel_loop3A_596 : vector<1x16xf32> to vector<1x16xf32>
      %parallel_loop3A_598 = vector.shape_cast %parallel_loop3A_558 : vector<1x16xf32> to vector<1x16xf32>
      tpu.vector_store %parallel_loop3A_593[%parallel_loop3A_594, %parallel_loop3A_595], %parallel_loop3A_598 {add = true, strides = array<i32>} : memref<64x128xf32, #tpu.memory_space<vmem>>, vector<1x16xf32>,
      %parallel_loop3A_599 = arith.index_cast %parallel_loop3A_510 : i32 to index
      %parallel_loop3A_600 = arith.constant 32 : index
      %parallel_loop3A_601 = tpu.vector_load %arg5[%parallel_loop3A_599, %parallel_loop3A_600] {strides = array<i32>} : memref<64x128xf32, #tpu.memory_space<vmem>>, vector<1x16xf32>,
      %parallel_loop3A_602 = vector.shape_cast %parallel_loop3A_601 : vector<1x16xf32> to vector<1x16xf32>
      %parallel_loop3A_603 = arith.constant 0 : i32
      %parallel_loop3A_604 = arith.constant 0 : i32
      %parallel_loop3A_605 = arith.constant 0 : i32
      %parallel_loop3A_606 = tpu.memref_slice %arg6[%parallel_loop3A_603, %parallel_loop3A_604, %parallel_loop3A_605] : memref<4x64x128xf32, #tpu.memory_space<vmem>> -> memref<1x64x128xf32, #tpu.memory_space<vmem>>
      %parallel_loop3A_607 = tpu.memref_squeeze %parallel_loop3A_606 : memref<1x64x128xf32, #tpu.memory_space<vmem>> -> memref<64x128xf32, #tpu.memory_space<vmem>>
      %parallel_loop3A_608 = arith.index_cast %parallel_loop3A_510 : i32 to index
      %parallel_loop3A_609 = arith.constant 32 : index
      %parallel_loop3A_610 = tpu.vector_load %parallel_loop3A_607[%parallel_loop3A_608, %parallel_loop3A_609] {strides = array<i32>} : memref<64x128xf32, #tpu.memory_space<vmem>>, vector<1x16xf32>,
      %parallel_loop3A_611 = vector.shape_cast %parallel_loop3A_610 : vector<1x16xf32> to vector<1x16xf32>
      %parallel_loop3A_612 = vector.shape_cast %parallel_loop3A_602 : vector<1x16xf32> to vector<1x16xf32>
      tpu.vector_store %parallel_loop3A_607[%parallel_loop3A_608, %parallel_loop3A_609], %parallel_loop3A_612 {add = true, strides = array<i32>} : memref<64x128xf32, #tpu.memory_space<vmem>>, vector<1x16xf32>,
      %parallel_loop3A_613 = arith.constant 1 : i32
      %parallel_loop3A_614 = arith.constant 0 : i32
      %parallel_loop3A_615 = arith.constant 0 : i32
      %parallel_loop3A_616 = tpu.memref_slice %arg6[%parallel_loop3A_613, %parallel_loop3A_614, %parallel_loop3A_615] : memref<4x64x128xf32, #tpu.memory_space<vmem>> -> memref<1x64x128xf32, #tpu.memory_space<vmem>>
      %parallel_loop3A_617 = tpu.memref_squeeze %parallel_loop3A_616 : memref<1x64x128xf32, #tpu.memory_space<vmem>> -> memref<64x128xf32, #tpu.memory_space<vmem>>
      %parallel_loop3A_618 = arith.index_cast %parallel_loop3A_510 : i32 to index
      %parallel_loop3A_619 = arith.constant 32 : index
      %parallel_loop3A_620 = tpu.vector_load %parallel_loop3A_617[%parallel_loop3A_618, %parallel_loop3A_619] {strides = array<i32>} : memref<64x128xf32, #tpu.memory_space<vmem>>, vector<1x16xf32>,
      %parallel_loop3A_621 = vector.shape_cast %parallel_loop3A_620 : vector<1x16xf32> to vector<1x16xf32>
      %parallel_loop3A_622 = vector.shape_cast %parallel_loop3A_602 : vector<1x16xf32> to vector<1x16xf32>
      tpu.vector_store %parallel_loop3A_617[%parallel_loop3A_618, %parallel_loop3A_619], %parallel_loop3A_622 {add = true, strides = array<i32>} : memref<64x128xf32, #tpu.memory_space<vmem>>, vector<1x16xf32>,
      %parallel_loop3A_623 = arith.constant 2 : i32
      %parallel_loop3A_624 = arith.constant 0 : i32
      %parallel_loop3A_625 = arith.constant 0 : i32
      %parallel_loop3A_626 = tpu.memref_slice %arg6[%parallel_loop3A_623, %parallel_loop3A_624, %parallel_loop3A_625] : memref<4x64x128xf32, #tpu.memory_space<vmem>> -> memref<1x64x128xf32, #tpu.memory_space<vmem>>
      %parallel_loop3A_627 = tpu.memref_squeeze %parallel_loop3A_626 : memref<1x64x128xf32, #tpu.memory_space<vmem>> -> memref<64x128xf32, #tpu.memory_space<vmem>>
      %parallel_loop3A_628 = arith.index_cast %parallel_loop3A_510 : i32 to index
      %parallel_loop3A_629 = arith.constant 32 : index
      %parallel_loop3A_630 = tpu.vector_load %parallel_loop3A_627[%parallel_loop3A_628, %parallel_loop3A_629] {strides = array<i32>} : memref<64x128xf32, #tpu.memory_space<vmem>>, vector<1x16xf32>,
      %parallel_loop3A_631 = vector.shape_cast %parallel_loop3A_630 : vector<1x16xf32> to vector<1x16xf32>
      %parallel_loop3A_632 = vector.shape_cast %parallel_loop3A_602 : vector<1x16xf32> to vector<1x16xf32>
      tpu.vector_store %parallel_loop3A_627[%parallel_loop3A_628, %parallel_loop3A_629], %parallel_loop3A_632 {add = true, strides = array<i32>} : memref<64x128xf32, #tpu.memory_space<vmem>>, vector<1x16xf32>,
      %parallel_loop3A_633 = arith.constant 3 : i32
      %parallel_loop3A_634 = arith.constant 0 : i32
      %parallel_loop3A_635 = arith.constant 0 : i32
      %parallel_loop3A_636 = tpu.memref_slice %arg6[%parallel_loop3A_633, %parallel_loop3A_634, %parallel_loop3A_635] : memref<4x64x128xf32, #tpu.memory_space<vmem>> -> memref<1x64x128xf32, #tpu.memory_space<vmem>>
      %parallel_loop3A_637 = tpu.memref_squeeze %parallel_loop3A_636 : memref<1x64x128xf32, #tpu.memory_space<vmem>> -> memref<64x128xf32, #tpu.memory_space<vmem>>
      %parallel_loop3A_638 = arith.index_cast %parallel_loop3A_510 : i32 to index
      %parallel_loop3A_639 = arith.constant 32 : index
      %parallel_loop3A_640 = tpu.vector_load %parallel_loop3A_637[%parallel_loop3A_638, %parallel_loop3A_639] {strides = array<i32>} : memref<64x128xf32, #tpu.memory_space<vmem>>, vector<1x16xf32>,
      %parallel_loop3A_641 = vector.shape_cast %parallel_loop3A_640 : vector<1x16xf32> to vector<1x16xf32>
      %parallel_loop3A_642 = vector.shape_cast %parallel_loop3A_602 : vector<1x16xf32> to vector<1x16xf32>
      tpu.vector_store %parallel_loop3A_637[%parallel_loop3A_638, %parallel_loop3A_639], %parallel_loop3A_642 {add = true, strides = array<i32>} : memref<64x128xf32, #tpu.memory_space<vmem>>, vector<1x16xf32>,
      %parallel_loop3A_643 = arith.index_cast %parallel_loop3A_510 : i32 to index
      %parallel_loop3A_644 = arith.constant 48 : index
      %parallel_loop3A_645 = tpu.vector_load %arg5[%parallel_loop3A_643, %parallel_loop3A_644] {strides = array<i32>} : memref<64x128xf32, #tpu.memory_space<vmem>>, vector<1x16xf32>,
      %parallel_loop3A_646 = vector.shape_cast %parallel_loop3A_645 : vector<1x16xf32> to vector<1x16xf32>
      %parallel_loop3A_647 = arith.constant 0 : i32
      %parallel_loop3A_648 = arith.constant 0 : i32
      %parallel_loop3A_649 = arith.constant 0 : i32
      %parallel_loop3A_650 = tpu.memref_slice %arg6[%parallel_loop3A_647, %parallel_loop3A_648, %parallel_loop3A_649] : memref<4x64x128xf32, #tpu.memory_space<vmem>> -> memref<1x64x128xf32, #tpu.memory_space<vmem>>
      %parallel_loop3A_651 = tpu.memref_squeeze %parallel_loop3A_650 : memref<1x64x128xf32, #tpu.memory_space<vmem>> -> memref<64x128xf32, #tpu.memory_space<vmem>>
      %parallel_loop3A_652 = arith.index_cast %parallel_loop3A_510 : i32 to index
      %parallel_loop3A_653 = arith.constant 48 : index
      %parallel_loop3A_654 = tpu.vector_load %parallel_loop3A_651[%parallel_loop3A_652, %parallel_loop3A_653] {strides = array<i32>} : memref<64x128xf32, #tpu.memory_space<vmem>>, vector<1x16xf32>,
      %parallel_loop3A_655 = vector.shape_cast %parallel_loop3A_654 : vector<1x16xf32> to vector<1x16xf32>
      %parallel_loop3A_656 = vector.shape_cast %parallel_loop3A_646 : vector<1x16xf32> to vector<1x16xf32>
      tpu.vector_store %parallel_loop3A_651[%parallel_loop3A_652, %parallel_loop3A_653], %parallel_loop3A_656 {add = true, strides = array<i32>} : memref<64x128xf32, #tpu.memory_space<vmem>>, vector<1x16xf32>,
      %parallel_loop3A_657 = arith.constant 1 : i32
      %parallel_loop3A_658 = arith.constant 0 : i32
      %parallel_loop3A_659 = arith.constant 0 : i32
      %parallel_loop3A_660 = tpu.memref_slice %arg6[%parallel_loop3A_657, %parallel_loop3A_658, %parallel_loop3A_659] : memref<4x64x128xf32, #tpu.memory_space<vmem>> -> memref<1x64x128xf32, #tpu.memory_space<vmem>>
      %parallel_loop3A_661 = tpu.memref_squeeze %parallel_loop3A_660 : memref<1x64x128xf32, #tpu.memory_space<vmem>> -> memref<64x128xf32, #tpu.memory_space<vmem>>
      %parallel_loop3A_662 = arith.index_cast %parallel_loop3A_510 : i32 to index
      %parallel_loop3A_663 = arith.constant 48 : index
      %parallel_loop3A_664 = tpu.vector_load %parallel_loop3A_661[%parallel_loop3A_662, %parallel_loop3A_663] {strides = array<i32>} : memref<64x128xf32, #tpu.memory_space<vmem>>, vector<1x16xf32>,
      %parallel_loop3A_665 = vector.shape_cast %parallel_loop3A_664 : vector<1x16xf32> to vector<1x16xf32>
      %parallel_loop3A_666 = vector.shape_cast %parallel_loop3A_646 : vector<1x16xf32> to vector<1x16xf32>
      tpu.vector_store %parallel_loop3A_661[%parallel_loop3A_662, %parallel_loop3A_663], %parallel_loop3A_666 {add = true, strides = array<i32>} : memref<64x128xf32, #tpu.memory_space<vmem>>, vector<1x16xf32>,
      %parallel_loop3A_667 = arith.constant 2 : i32
      %parallel_loop3A_668 = arith.constant 0 : i32
      %parallel_loop3A_669 = arith.constant 0 : i32
      %parallel_loop3A_670 = tpu.memref_slice %arg6[%parallel_loop3A_667, %parallel_loop3A_668, %parallel_loop3A_669] : memref<4x64x128xf32, #tpu.memory_space<vmem>> -> memref<1x64x128xf32, #tpu.memory_space<vmem>>
      %parallel_loop3A_671 = tpu.memref_squeeze %parallel_loop3A_670 : memref<1x64x128xf32, #tpu.memory_space<vmem>> -> memref<64x128xf32, #tpu.memory_space<vmem>>
      %parallel_loop3A_672 = arith.index_cast %parallel_loop3A_510 : i32 to index
      %parallel_loop3A_673 = arith.constant 48 : index
      %parallel_loop3A_674 = tpu.vector_load %parallel_loop3A_671[%parallel_loop3A_672, %parallel_loop3A_673] {strides = array<i32>} : memref<64x128xf32, #tpu.memory_space<vmem>>, vector<1x16xf32>,
      %parallel_loop3A_675 = vector.shape_cast %parallel_loop3A_674 : vector<1x16xf32> to vector<1x16xf32>
      %parallel_loop3A_676 = vector.shape_cast %parallel_loop3A_646 : vector<1x16xf32> to vector<1x16xf32>
      tpu.vector_store %parallel_loop3A_671[%parallel_loop3A_672, %parallel_loop3A_673], %parallel_loop3A_676 {add = true, strides = array<i32>} : memref<64x128xf32, #tpu.memory_space<vmem>>, vector<1x16xf32>,
      %parallel_loop3A_677 = arith.constant 3 : i32
      %parallel_loop3A_678 = arith.constant 0 : i32
      %parallel_loop3A_679 = arith.constant 0 : i32
      %parallel_loop3A_680 = tpu.memref_slice %arg6[%parallel_loop3A_677, %parallel_loop3A_678, %parallel_loop3A_679] : memref<4x64x128xf32, #tpu.memory_space<vmem>> -> memref<1x64x128xf32, #tpu.memory_space<vmem>>
      %parallel_loop3A_681 = tpu.memref_squeeze %parallel_loop3A_680 : memref<1x64x128xf32, #tpu.memory_space<vmem>> -> memref<64x128xf32, #tpu.memory_space<vmem>>
      %parallel_loop3A_682 = arith.index_cast %parallel_loop3A_510 : i32 to index
      %parallel_loop3A_683 = arith.constant 48 : index
      %parallel_loop3A_684 = tpu.vector_load %parallel_loop3A_681[%parallel_loop3A_682, %parallel_loop3A_683] {strides = array<i32>} : memref<64x128xf32, #tpu.memory_space<vmem>>, vector<1x16xf32>,
      %parallel_loop3A_685 = vector.shape_cast %parallel_loop3A_684 : vector<1x16xf32> to vector<1x16xf32>
      %parallel_loop3A_686 = vector.shape_cast %parallel_loop3A_646 : vector<1x16xf32> to vector<1x16xf32>
      tpu.vector_store %parallel_loop3A_681[%parallel_loop3A_682, %parallel_loop3A_683], %parallel_loop3A_686 {add = true, strides = array<i32>} : memref<64x128xf32, #tpu.memory_space<vmem>>, vector<1x16xf32>,
      %parallel_loop3A_687 = arith.index_cast %parallel_loop3A_510 : i32 to index
      %parallel_loop3A_688 = arith.constant 64 : index
      %parallel_loop3A_689 = tpu.vector_load %arg5[%parallel_loop3A_687, %parallel_loop3A_688] {strides = array<i32>} : memref<64x128xf32, #tpu.memory_space<vmem>>, vector<1x16xf32>,
      %parallel_loop3A_690 = vector.shape_cast %parallel_loop3A_689 : vector<1x16xf32> to vector<1x16xf32>
      %parallel_loop3A_691 = arith.constant 0 : i32
      %parallel_loop3A_692 = arith.constant 0 : i32
      %parallel_loop3A_693 = arith.constant 0 : i32
      %parallel_loop3A_694 = tpu.memref_slice %arg6[%parallel_loop3A_691, %parallel_loop3A_692, %parallel_loop3A_693] : memref<4x64x128xf32, #tpu.memory_space<vmem>> -> memref<1x64x128xf32, #tpu.memory_space<vmem>>
      %parallel_loop3A_695 = tpu.memref_squeeze %parallel_loop3A_694 : memref<1x64x128xf32, #tpu.memory_space<vmem>> -> memref<64x128xf32, #tpu.memory_space<vmem>>
      %parallel_loop3A_696 = arith.index_cast %parallel_loop3A_510 : i32 to index
      %parallel_loop3A_697 = arith.constant 64 : index
      %parallel_loop3A_698 = tpu.vector_load %parallel_loop3A_695[%parallel_loop3A_696, %parallel_loop3A_697] {strides = array<i32>} : memref<64x128xf32, #tpu.memory_space<vmem>>, vector<1x16xf32>,
      %parallel_loop3A_699 = vector.shape_cast %parallel_loop3A_698 : vector<1x16xf32> to vector<1x16xf32>
      %parallel_loop3A_700 = vector.shape_cast %parallel_loop3A_690 : vector<1x16xf32> to vector<1x16xf32>
      tpu.vector_store %parallel_loop3A_695[%parallel_loop3A_696, %parallel_loop3A_697], %parallel_loop3A_700 {add = true, strides = array<i32>} : memref<64x128xf32, #tpu.memory_space<vmem>>, vector<1x16xf32>,
      %parallel_loop3A_701 = arith.constant 1 : i32
      %parallel_loop3A_702 = arith.constant 0 : i32
      %parallel_loop3A_703 = arith.constant 0 : i32
      %parallel_loop3A_704 = tpu.memref_slice %arg6[%parallel_loop3A_701, %parallel_loop3A_702, %parallel_loop3A_703] : memref<4x64x128xf32, #tpu.memory_space<vmem>> -> memref<1x64x128xf32, #tpu.memory_space<vmem>>
      %parallel_loop3A_705 = tpu.memref_squeeze %parallel_loop3A_704 : memref<1x64x128xf32, #tpu.memory_space<vmem>> -> memref<64x128xf32, #tpu.memory_space<vmem>>
      %parallel_loop3A_706 = arith.index_cast %parallel_loop3A_510 : i32 to index
      %parallel_loop3A_707 = arith.constant 64 : index
      %parallel_loop3A_708 = tpu.vector_load %parallel_loop3A_705[%parallel_loop3A_706, %parallel_loop3A_707] {strides = array<i32>} : memref<64x128xf32, #tpu.memory_space<vmem>>, vector<1x16xf32>,
      %parallel_loop3A_709 = vector.shape_cast %parallel_loop3A_708 : vector<1x16xf32> to vector<1x16xf32>
      %parallel_loop3A_710 = vector.shape_cast %parallel_loop3A_690 : vector<1x16xf32> to vector<1x16xf32>
      tpu.vector_store %parallel_loop3A_705[%parallel_loop3A_706, %parallel_loop3A_707], %parallel_loop3A_710 {add = true, strides = array<i32>} : memref<64x128xf32, #tpu.memory_space<vmem>>, vector<1x16xf32>,
      %parallel_loop3A_711 = arith.constant 2 : i32
      %parallel_loop3A_712 = arith.constant 0 : i32
      %parallel_loop3A_713 = arith.constant 0 : i32
      %parallel_loop3A_714 = tpu.memref_slice %arg6[%parallel_loop3A_711, %parallel_loop3A_712, %parallel_loop3A_713] : memref<4x64x128xf32, #tpu.memory_space<vmem>> -> memref<1x64x128xf32, #tpu.memory_space<vmem>>
      %parallel_loop3A_715 = tpu.memref_squeeze %parallel_loop3A_714 : memref<1x64x128xf32, #tpu.memory_space<vmem>> -> memref<64x128xf32, #tpu.memory_space<vmem>>
      %parallel_loop3A_716 = arith.index_cast %parallel_loop3A_510 : i32 to index
      %parallel_loop3A_717 = arith.constant 64 : index
      %parallel_loop3A_718 = tpu.vector_load %parallel_loop3A_715[%parallel_loop3A_716, %parallel_loop3A_717] {strides = array<i32>} : memref<64x128xf32, #tpu.memory_space<vmem>>, vector<1x16xf32>,
      %parallel_loop3A_719 = vector.shape_cast %parallel_loop3A_718 : vector<1x16xf32> to vector<1x16xf32>
      %parallel_loop3A_720 = vector.shape_cast %parallel_loop3A_690 : vector<1x16xf32> to vector<1x16xf32>
      tpu.vector_store %parallel_loop3A_715[%parallel_loop3A_716, %parallel_loop3A_717], %parallel_loop3A_720 {add = true, strides = array<i32>} : memref<64x128xf32, #tpu.memory_space<vmem>>, vector<1x16xf32>,
      %parallel_loop3A_721 = arith.constant 3 : i32
      %parallel_loop3A_722 = arith.constant 0 : i32
      %parallel_loop3A_723 = arith.constant 0 : i32
      %parallel_loop3A_724 = tpu.memref_slice %arg6[%parallel_loop3A_721, %parallel_loop3A_722, %parallel_loop3A_723] : memref<4x64x128xf32, #tpu.memory_space<vmem>> -> memref<1x64x128xf32, #tpu.memory_space<vmem>>
      %parallel_loop3A_725 = tpu.memref_squeeze %parallel_loop3A_724 : memref<1x64x128xf32, #tpu.memory_space<vmem>> -> memref<64x128xf32, #tpu.memory_space<vmem>>
      %parallel_loop3A_726 = arith.index_cast %parallel_loop3A_510 : i32 to index
      %parallel_loop3A_727 = arith.constant 64 : index
      %parallel_loop3A_728 = tpu.vector_load %parallel_loop3A_725[%parallel_loop3A_726, %parallel_loop3A_727] {strides = array<i32>} : memref<64x128xf32, #tpu.memory_space<vmem>>, vector<1x16xf32>,
      %parallel_loop3A_729 = vector.shape_cast %parallel_loop3A_728 : vector<1x16xf32> to vector<1x16xf32>
      %parallel_loop3A_730 = vector.shape_cast %parallel_loop3A_690 : vector<1x16xf32> to vector<1x16xf32>
      tpu.vector_store %parallel_loop3A_725[%parallel_loop3A_726, %parallel_loop3A_727], %parallel_loop3A_730 {add = true, strides = array<i32>} : memref<64x128xf32, #tpu.memory_space<vmem>>, vector<1x16xf32>,
      %parallel_loop3A_731 = arith.index_cast %parallel_loop3A_510 : i32 to index
      %parallel_loop3A_732 = arith.constant 80 : index
      %parallel_loop3A_733 = tpu.vector_load %arg5[%parallel_loop3A_731, %parallel_loop3A_732] {strides = array<i32>} : memref<64x128xf32, #tpu.memory_space<vmem>>, vector<1x16xf32>,
      %parallel_loop3A_734 = vector.shape_cast %parallel_loop3A_733 : vector<1x16xf32> to vector<1x16xf32>
      %parallel_loop3A_735 = arith.constant 0 : i32
      %parallel_loop3A_736 = arith.constant 0 : i32
      %parallel_loop3A_737 = arith.constant 0 : i32
      %parallel_loop3A_738 = tpu.memref_slice %arg6[%parallel_loop3A_735, %parallel_loop3A_736, %parallel_loop3A_737] : memref<4x64x128xf32, #tpu.memory_space<vmem>> -> memref<1x64x128xf32, #tpu.memory_space<vmem>>
      %parallel_loop3A_739 = tpu.memref_squeeze %parallel_loop3A_738 : memref<1x64x128xf32, #tpu.memory_space<vmem>> -> memref<64x128xf32, #tpu.memory_space<vmem>>
      %parallel_loop3A_740 = arith.index_cast %parallel_loop3A_510 : i32 to index
      %parallel_loop3A_741 = arith.constant 80 : index
      %parallel_loop3A_742 = tpu.vector_load %parallel_loop3A_739[%parallel_loop3A_740, %parallel_loop3A_741] {strides = array<i32>} : memref<64x128xf32, #tpu.memory_space<vmem>>, vector<1x16xf32>,
      %parallel_loop3A_743 = vector.shape_cast %parallel_loop3A_742 : vector<1x16xf32> to vector<1x16xf32>
      %parallel_loop3A_744 = vector.shape_cast %parallel_loop3A_734 : vector<1x16xf32> to vector<1x16xf32>
      tpu.vector_store %parallel_loop3A_739[%parallel_loop3A_740, %parallel_loop3A_741], %parallel_loop3A_744 {add = true, strides = array<i32>} : memref<64x128xf32, #tpu.memory_space<vmem>>, vector<1x16xf32>,
      %parallel_loop3A_745 = arith.constant 1 : i32
      %parallel_loop3A_746 = arith.constant 0 : i32
      %parallel_loop3A_747 = arith.constant 0 : i32
      %parallel_loop3A_748 = tpu.memref_slice %arg6[%parallel_loop3A_745, %parallel_loop3A_746, %parallel_loop3A_747] : memref<4x64x128xf32, #tpu.memory_space<vmem>> -> memref<1x64x128xf32, #tpu.memory_space<vmem>>
      %parallel_loop3A_749 = tpu.memref_squeeze %parallel_loop3A_748 : memref<1x64x128xf32, #tpu.memory_space<vmem>> -> memref<64x128xf32, #tpu.memory_space<vmem>>
      %parallel_loop3A_750 = arith.index_cast %parallel_loop3A_510 : i32 to index
      %parallel_loop3A_751 = arith.constant 80 : index
      %parallel_loop3A_752 = tpu.vector_load %parallel_loop3A_749[%parallel_loop3A_750, %parallel_loop3A_751] {strides = array<i32>} : memref<64x128xf32, #tpu.memory_space<vmem>>, vector<1x16xf32>,
      %parallel_loop3A_753 = vector.shape_cast %parallel_loop3A_752 : vector<1x16xf32> to vector<1x16xf32>
      %parallel_loop3A_754 = vector.shape_cast %parallel_loop3A_734 : vector<1x16xf32> to vector<1x16xf32>
      tpu.vector_store %parallel_loop3A_749[%parallel_loop3A_750, %parallel_loop3A_751], %parallel_loop3A_754 {add = true, strides = array<i32>} : memref<64x128xf32, #tpu.memory_space<vmem>>, vector<1x16xf32>,
      %parallel_loop3A_755 = arith.constant 2 : i32
      %parallel_loop3A_756 = arith.constant 0 : i32
      %parallel_loop3A_757 = arith.constant 0 : i32
      %parallel_loop3A_758 = tpu.memref_slice %arg6[%parallel_loop3A_755, %parallel_loop3A_756, %parallel_loop3A_757] : memref<4x64x128xf32, #tpu.memory_space<vmem>> -> memref<1x64x128xf32, #tpu.memory_space<vmem>>
      %parallel_loop3A_759 = tpu.memref_squeeze %parallel_loop3A_758 : memref<1x64x128xf32, #tpu.memory_space<vmem>> -> memref<64x128xf32, #tpu.memory_space<vmem>>
      %parallel_loop3A_760 = arith.index_cast %parallel_loop3A_510 : i32 to index
      %parallel_loop3A_761 = arith.constant 80 : index
      %parallel_loop3A_762 = tpu.vector_load %parallel_loop3A_759[%parallel_loop3A_760, %parallel_loop3A_761] {strides = array<i32>} : memref<64x128xf32, #tpu.memory_space<vmem>>, vector<1x16xf32>,
      %parallel_loop3A_763 = vector.shape_cast %parallel_loop3A_762 : vector<1x16xf32> to vector<1x16xf32>
      %parallel_loop3A_764 = vector.shape_cast %parallel_loop3A_734 : vector<1x16xf32> to vector<1x16xf32>
      tpu.vector_store %parallel_loop3A_759[%parallel_loop3A_760, %parallel_loop3A_761], %parallel_loop3A_764 {add = true, strides = array<i32>} : memref<64x128xf32, #tpu.memory_space<vmem>>, vector<1x16xf32>,
      %parallel_loop3A_765 = arith.constant 3 : i32
      %parallel_loop3A_766 = arith.constant 0 : i32
      %parallel_loop3A_767 = arith.constant 0 : i32
      %parallel_loop3A_768 = tpu.memref_slice %arg6[%parallel_loop3A_765, %parallel_loop3A_766, %parallel_loop3A_767] : memref<4x64x128xf32, #tpu.memory_space<vmem>> -> memref<1x64x128xf32, #tpu.memory_space<vmem>>
      %parallel_loop3A_769 = tpu.memref_squeeze %parallel_loop3A_768 : memref<1x64x128xf32, #tpu.memory_space<vmem>> -> memref<64x128xf32, #tpu.memory_space<vmem>>
      %parallel_loop3A_770 = arith.index_cast %parallel_loop3A_510 : i32 to index
      %parallel_loop3A_771 = arith.constant 80 : index
      %parallel_loop3A_772 = tpu.vector_load %parallel_loop3A_769[%parallel_loop3A_770, %parallel_loop3A_771] {strides = array<i32>} : memref<64x128xf32, #tpu.memory_space<vmem>>, vector<1x16xf32>,
      %parallel_loop3A_773 = vector.shape_cast %parallel_loop3A_772 : vector<1x16xf32> to vector<1x16xf32>
      %parallel_loop3A_774 = vector.shape_cast %parallel_loop3A_734 : vector<1x16xf32> to vector<1x16xf32>
      tpu.vector_store %parallel_loop3A_769[%parallel_loop3A_770, %parallel_loop3A_771], %parallel_loop3A_774 {add = true, strides = array<i32>} : memref<64x128xf32, #tpu.memory_space<vmem>>, vector<1x16xf32>,
      %parallel_loop3A_775 = arith.index_cast %parallel_loop3A_510 : i32 to index
      %parallel_loop3A_776 = arith.constant 96 : index
      %parallel_loop3A_777 = tpu.vector_load %arg5[%parallel_loop3A_775, %parallel_loop3A_776] {strides = array<i32>} : memref<64x128xf32, #tpu.memory_space<vmem>>, vector<1x16xf32>,
      %parallel_loop3A_778 = vector.shape_cast %parallel_loop3A_777 : vector<1x16xf32> to vector<1x16xf32>
      %parallel_loop3A_779 = arith.constant 0 : i32
      %parallel_loop3A_780 = arith.constant 0 : i32
      %parallel_loop3A_781 = arith.constant 0 : i32
      %parallel_loop3A_782 = tpu.memref_slice %arg6[%parallel_loop3A_779, %parallel_loop3A_780, %parallel_loop3A_781] : memref<4x64x128xf32, #tpu.memory_space<vmem>> -> memref<1x64x128xf32, #tpu.memory_space<vmem>>
      %parallel_loop3A_783 = tpu.memref_squeeze %parallel_loop3A_782 : memref<1x64x128xf32, #tpu.memory_space<vmem>> -> memref<64x128xf32, #tpu.memory_space<vmem>>
      %parallel_loop3A_784 = arith.index_cast %parallel_loop3A_510 : i32 to index
      %parallel_loop3A_785 = arith.constant 96 : index
      %parallel_loop3A_786 = tpu.vector_load %parallel_loop3A_783[%parallel_loop3A_784, %parallel_loop3A_785] {strides = array<i32>} : memref<64x128xf32, #tpu.memory_space<vmem>>, vector<1x16xf32>,
      %parallel_loop3A_787 = vector.shape_cast %parallel_loop3A_786 : vector<1x16xf32> to vector<1x16xf32>
      %parallel_loop3A_788 = vector.shape_cast %parallel_loop3A_778 : vector<1x16xf32> to vector<1x16xf32>
      tpu.vector_store %parallel_loop3A_783[%parallel_loop3A_784, %parallel_loop3A_785], %parallel_loop3A_788 {add = true, strides = array<i32>} : memref<64x128xf32, #tpu.memory_space<vmem>>, vector<1x16xf32>,
      %parallel_loop3A_789 = arith.constant 1 : i32
      %parallel_loop3A_790 = arith.constant 0 : i32
      %parallel_loop3A_791 = arith.constant 0 : i32
      %parallel_loop3A_792 = tpu.memref_slice %arg6[%parallel_loop3A_789, %parallel_loop3A_790, %parallel_loop3A_791] : memref<4x64x128xf32, #tpu.memory_space<vmem>> -> memref<1x64x128xf32, #tpu.memory_space<vmem>>
      %parallel_loop3A_793 = tpu.memref_squeeze %parallel_loop3A_792 : memref<1x64x128xf32, #tpu.memory_space<vmem>> -> memref<64x128xf32, #tpu.memory_space<vmem>>
      %parallel_loop3A_794 = arith.index_cast %parallel_loop3A_510 : i32 to index
      %parallel_loop3A_795 = arith.constant 96 : index
      %parallel_loop3A_796 = tpu.vector_load %parallel_loop3A_793[%parallel_loop3A_794, %parallel_loop3A_795] {strides = array<i32>} : memref<64x128xf32, #tpu.memory_space<vmem>>, vector<1x16xf32>,
      %parallel_loop3A_797 = vector.shape_cast %parallel_loop3A_796 : vector<1x16xf32> to vector<1x16xf32>
      %parallel_loop3A_798 = vector.shape_cast %parallel_loop3A_778 : vector<1x16xf32> to vector<1x16xf32>
      tpu.vector_store %parallel_loop3A_793[%parallel_loop3A_794, %parallel_loop3A_795], %parallel_loop3A_798 {add = true, strides = array<i32>} : memref<64x128xf32, #tpu.memory_space<vmem>>, vector<1x16xf32>,
      %parallel_loop3A_799 = arith.constant 2 : i32
      %parallel_loop3A_800 = arith.constant 0 : i32
      %parallel_loop3A_801 = arith.constant 0 : i32
      %parallel_loop3A_802 = tpu.memref_slice %arg6[%parallel_loop3A_799, %parallel_loop3A_800, %parallel_loop3A_801] : memref<4x64x128xf32, #tpu.memory_space<vmem>> -> memref<1x64x128xf32, #tpu.memory_space<vmem>>
      %parallel_loop3A_803 = tpu.memref_squeeze %parallel_loop3A_802 : memref<1x64x128xf32, #tpu.memory_space<vmem>> -> memref<64x128xf32, #tpu.memory_space<vmem>>
      %parallel_loop3A_804 = arith.index_cast %parallel_loop3A_510 : i32 to index
      %parallel_loop3A_805 = arith.constant 96 : index
      %parallel_loop3A_806 = tpu.vector_load %parallel_loop3A_803[%parallel_loop3A_804, %parallel_loop3A_805] {strides = array<i32>} : memref<64x128xf32, #tpu.memory_space<vmem>>, vector<1x16xf32>,
      %parallel_loop3A_807 = vector.shape_cast %parallel_loop3A_806 : vector<1x16xf32> to vector<1x16xf32>
      %parallel_loop3A_808 = vector.shape_cast %parallel_loop3A_778 : vector<1x16xf32> to vector<1x16xf32>
      tpu.vector_store %parallel_loop3A_803[%parallel_loop3A_804, %parallel_loop3A_805], %parallel_loop3A_808 {add = true, strides = array<i32>} : memref<64x128xf32, #tpu.memory_space<vmem>>, vector<1x16xf32>,
      %parallel_loop3A_809 = arith.constant 3 : i32
      %parallel_loop3A_810 = arith.constant 0 : i32
      %parallel_loop3A_811 = arith.constant 0 : i32
      %parallel_loop3A_812 = tpu.memref_slice %arg6[%parallel_loop3A_809, %parallel_loop3A_810, %parallel_loop3A_811] : memref<4x64x128xf32, #tpu.memory_space<vmem>> -> memref<1x64x128xf32, #tpu.memory_space<vmem>>
      %parallel_loop3A_813 = tpu.memref_squeeze %parallel_loop3A_812 : memref<1x64x128xf32, #tpu.memory_space<vmem>> -> memref<64x128xf32, #tpu.memory_space<vmem>>
      %parallel_loop3A_814 = arith.index_cast %parallel_loop3A_510 : i32 to index
      %parallel_loop3A_815 = arith.constant 96 : index
      %parallel_loop3A_816 = tpu.vector_load %parallel_loop3A_813[%parallel_loop3A_814, %parallel_loop3A_815] {strides = array<i32>} : memref<64x128xf32, #tpu.memory_space<vmem>>, vector<1x16xf32>,
      %parallel_loop3A_817 = vector.shape_cast %parallel_loop3A_816 : vector<1x16xf32> to vector<1x16xf32>
      %parallel_loop3A_818 = vector.shape_cast %parallel_loop3A_778 : vector<1x16xf32> to vector<1x16xf32>
      tpu.vector_store %parallel_loop3A_813[%parallel_loop3A_814, %parallel_loop3A_815], %parallel_loop3A_818 {add = true, strides = array<i32>} : memref<64x128xf32, #tpu.memory_space<vmem>>, vector<1x16xf32>,
      %parallel_loop3A_819 = arith.index_cast %parallel_loop3A_510 : i32 to index
      %parallel_loop3A_820 = arith.constant 112 : index
      %parallel_loop3A_821 = tpu.vector_load %arg5[%parallel_loop3A_819, %parallel_loop3A_820] {strides = array<i32>} : memref<64x128xf32, #tpu.memory_space<vmem>>, vector<1x16xf32>,
      %parallel_loop3A_822 = vector.shape_cast %parallel_loop3A_821 : vector<1x16xf32> to vector<1x16xf32>
      %parallel_loop3A_823 = arith.constant 0 : i32
      %parallel_loop3A_824 = arith.constant 0 : i32
      %parallel_loop3A_825 = arith.constant 0 : i32
      %parallel_loop3A_826 = tpu.memref_slice %arg6[%parallel_loop3A_823, %parallel_loop3A_824, %parallel_loop3A_825] : memref<4x64x128xf32, #tpu.memory_space<vmem>> -> memref<1x64x128xf32, #tpu.memory_space<vmem>>
      %parallel_loop3A_827 = tpu.memref_squeeze %parallel_loop3A_826 : memref<1x64x128xf32, #tpu.memory_space<vmem>> -> memref<64x128xf32, #tpu.memory_space<vmem>>
      %parallel_loop3A_828 = arith.index_cast %parallel_loop3A_510 : i32 to index
      %parallel_loop3A_829 = arith.constant 112 : index
      %parallel_loop3A_830 = tpu.vector_load %parallel_loop3A_827[%parallel_loop3A_828, %parallel_loop3A_829] {strides = array<i32>} : memref<64x128xf32, #tpu.memory_space<vmem>>, vector<1x16xf32>,
      %parallel_loop3A_831 = vector.shape_cast %parallel_loop3A_830 : vector<1x16xf32> to vector<1x16xf32>
      %parallel_loop3A_832 = vector.shape_cast %parallel_loop3A_822 : vector<1x16xf32> to vector<1x16xf32>
      tpu.vector_store %parallel_loop3A_827[%parallel_loop3A_828, %parallel_loop3A_829], %parallel_loop3A_832 {add = true, strides = array<i32>} : memref<64x128xf32, #tpu.memory_space<vmem>>, vector<1x16xf32>,
      %parallel_loop3A_833 = arith.constant 1 : i32
      %parallel_loop3A_834 = arith.constant 0 : i32
      %parallel_loop3A_835 = arith.constant 0 : i32
      %parallel_loop3A_836 = tpu.memref_slice %arg6[%parallel_loop3A_833, %parallel_loop3A_834, %parallel_loop3A_835] : memref<4x64x128xf32, #tpu.memory_space<vmem>> -> memref<1x64x128xf32, #tpu.memory_space<vmem>>
      %parallel_loop3A_837 = tpu.memref_squeeze %parallel_loop3A_836 : memref<1x64x128xf32, #tpu.memory_space<vmem>> -> memref<64x128xf32, #tpu.memory_space<vmem>>
      %parallel_loop3A_838 = arith.index_cast %parallel_loop3A_510 : i32 to index
      %parallel_loop3A_839 = arith.constant 112 : index
      %parallel_loop3A_840 = tpu.vector_load %parallel_loop3A_837[%parallel_loop3A_838, %parallel_loop3A_839] {strides = array<i32>} : memref<64x128xf32, #tpu.memory_space<vmem>>, vector<1x16xf32>,
      %parallel_loop3A_841 = vector.shape_cast %parallel_loop3A_840 : vector<1x16xf32> to vector<1x16xf32>
      %parallel_loop3A_842 = vector.shape_cast %parallel_loop3A_822 : vector<1x16xf32> to vector<1x16xf32>
      tpu.vector_store %parallel_loop3A_837[%parallel_loop3A_838, %parallel_loop3A_839], %parallel_loop3A_842 {add = true, strides = array<i32>} : memref<64x128xf32, #tpu.memory_space<vmem>>, vector<1x16xf32>,
      %parallel_loop3A_843 = arith.constant 2 : i32
      %parallel_loop3A_844 = arith.constant 0 : i32
      %parallel_loop3A_845 = arith.constant 0 : i32
      %parallel_loop3A_846 = tpu.memref_slice %arg6[%parallel_loop3A_843, %parallel_loop3A_844, %parallel_loop3A_845] : memref<4x64x128xf32, #tpu.memory_space<vmem>> -> memref<1x64x128xf32, #tpu.memory_space<vmem>>
      %parallel_loop3A_847 = tpu.memref_squeeze %parallel_loop3A_846 : memref<1x64x128xf32, #tpu.memory_space<vmem>> -> memref<64x128xf32, #tpu.memory_space<vmem>>
      %parallel_loop3A_848 = arith.index_cast %parallel_loop3A_510 : i32 to index
      %parallel_loop3A_849 = arith.constant 112 : index
      %parallel_loop3A_850 = tpu.vector_load %parallel_loop3A_847[%parallel_loop3A_848, %parallel_loop3A_849] {strides = array<i32>} : memref<64x128xf32, #tpu.memory_space<vmem>>, vector<1x16xf32>,
      %parallel_loop3A_851 = vector.shape_cast %parallel_loop3A_850 : vector<1x16xf32> to vector<1x16xf32>
      %parallel_loop3A_852 = vector.shape_cast %parallel_loop3A_822 : vector<1x16xf32> to vector<1x16xf32>
      tpu.vector_store %parallel_loop3A_847[%parallel_loop3A_848, %parallel_loop3A_849], %parallel_loop3A_852 {add = true, strides = array<i32>} : memref<64x128xf32, #tpu.memory_space<vmem>>, vector<1x16xf32>,
      %parallel_loop3A_853 = arith.constant 3 : i32
      %parallel_loop3A_854 = arith.constant 0 : i32
      %parallel_loop3A_855 = arith.constant 0 : i32
      %parallel_loop3A_856 = tpu.memref_slice %arg6[%parallel_loop3A_853, %parallel_loop3A_854, %parallel_loop3A_855] : memref<4x64x128xf32, #tpu.memory_space<vmem>> -> memref<1x64x128xf32, #tpu.memory_space<vmem>>
      %parallel_loop3A_857 = tpu.memref_squeeze %parallel_loop3A_856 : memref<1x64x128xf32, #tpu.memory_space<vmem>> -> memref<64x128xf32, #tpu.memory_space<vmem>>
      %parallel_loop3A_858 = arith.index_cast %parallel_loop3A_510 : i32 to index
      %parallel_loop3A_859 = arith.constant 112 : index
      %parallel_loop3A_860 = tpu.vector_load %parallel_loop3A_857[%parallel_loop3A_858, %parallel_loop3A_859] {strides = array<i32>} : memref<64x128xf32, #tpu.memory_space<vmem>>, vector<1x16xf32>,
      %parallel_loop3A_861 = vector.shape_cast %parallel_loop3A_860 : vector<1x16xf32> to vector<1x16xf32>
      %parallel_loop3A_862 = vector.shape_cast %parallel_loop3A_822 : vector<1x16xf32> to vector<1x16xf32>
      tpu.vector_store %parallel_loop3A_857[%parallel_loop3A_858, %parallel_loop3A_859], %parallel_loop3A_862 {add = true, strides = array<i32>} : memref<64x128xf32, #tpu.memory_space<vmem>>, vector<1x16xf32>,
    } {sc.loop_unroll_factor = 2 : i64, sc.parallel_access}
    %add3A_139 = arith.constant 0 : i32
    %add3A_140 = arith.addi %mul3A_2, %add3A_139 : i32
    %dma_start3A_141 = arith.constant 0 : i32
    %dma_start3A_142 = arith.constant 0 : i32
    %dma_start3A_143 = arith.constant 0 : i32
    %dma_start3A_144 = arith.constant 0 : i32
    %dma_start3A_145 = tpu.memref_slice %arg6[%dma_start3A_141, %dma_start3A_143, %dma_start3A_144] : memref<4x64x128xf32, #tpu.memory_space<vmem>> -> memref<1x64x128xf32, #tpu.memory_space<vmem>>
    %dma_start3A_146 = tpu.memref_squeeze %dma_start3A_145 : memref<1x64x128xf32, #tpu.memory_space<vmem>> -> memref<64x128xf32, #tpu.memory_space<vmem>>
    %dma_start3A_147 = arith.constant 0 : i32
    %dma_start3A_148 = arith.constant 0 : i32
    %dma_start3A_149 = tpu.memref_slice %dma_start3A_146[%dma_start3A_147, %dma_start3A_148] : memref<64x128xf32, #tpu.memory_space<vmem>> -> memref<32x128xf32, #tpu.memory_space<vmem>>
    %dma_start3A_150 = arith.constant 0 : i32
    %dma_start3A_151 = tpu.memref_slice %arg4[%dma_start3A_142, %add3A_140, %dma_start3A_150] : memref<4x2048x128xf32, #tpu.memory_space<hbm>> -> memref<1x32x128xf32, #tpu.memory_space<hbm>>
    %dma_start3A_152 = tpu.memref_squeeze %dma_start3A_151 : memref<1x32x128xf32, #tpu.memory_space<hbm>> -> memref<32x128xf32, #tpu.memory_space<hbm>>
    %dma_start3A_153 = arith.constant 0 : i32
    %dma_start3A_154 = tpu.memref_slice %arg4[%dma_start3A_142, %add3A_140, %dma_start3A_153] : memref<4x2048x128xf32, #tpu.memory_space<hbm>> -> memref<1x32x128xf32, #tpu.memory_space<hbm>>
    %dma_start3A_155 = tpu.memref_squeeze %dma_start3A_154 : memref<1x32x128xf32, #tpu.memory_space<hbm>> -> memref<32x128xf32, #tpu.memory_space<hbm>>
    %dma_start3A_156 = arith.constant 0 : i32
    %dma_start3A_157 = arith.constant 0 : i32
    %dma_start3A_158 = tpu.memref_slice %arg6[%dma_start3A_141, %dma_start3A_156, %dma_start3A_157] : memref<4x64x128xf32, #tpu.memory_space<vmem>> -> memref<1x64x128xf32, #tpu.memory_space<vmem>>
    %dma_start3A_159 = tpu.memref_squeeze %dma_start3A_158 : memref<1x64x128xf32, #tpu.memory_space<vmem>> -> memref<64x128xf32, #tpu.memory_space<vmem>>
    %dma_start3A_160 = arith.constant 0 : i32
    %dma_start3A_161 = arith.constant 0 : i32
    %dma_start3A_162 = tpu.memref_slice %dma_start3A_159[%dma_start3A_160, %dma_start3A_161] : memref<64x128xf32, #tpu.memory_space<vmem>> -> memref<32x128xf32, #tpu.memory_space<vmem>>
    tpu.enqueue_dma source(%dma_start3A_162 : memref<32x128xf32, #tpu.memory_space<vmem>>) target(%dma_start3A_155 : memref<32x128xf32, #tpu.memory_space<hbm>>) target_semaphore(%arg8 : memref<!tpu.dma_semaphore, #tpu.memory_space<semaphore_mem>>)
    %add3A_163 = arith.constant 0 : i32
    %add3A_164 = arith.addi %mul3A_2, %add3A_163 : i32
    %dma_start3A_165 = arith.constant 1 : i32
    %dma_start3A_166 = arith.constant 1 : i32
    %dma_start3A_167 = arith.constant 0 : i32
    %dma_start3A_168 = arith.constant 0 : i32
    %dma_start3A_169 = tpu.memref_slice %arg6[%dma_start3A_165, %dma_start3A_167, %dma_start3A_168] : memref<4x64x128xf32, #tpu.memory_space<vmem>> -> memref<1x64x128xf32, #tpu.memory_space<vmem>>
    %dma_start3A_170 = tpu.memref_squeeze %dma_start3A_169 : memref<1x64x128xf32, #tpu.memory_space<vmem>> -> memref<64x128xf32, #tpu.memory_space<vmem>>
    %dma_start3A_171 = arith.constant 0 : i32
    %dma_start3A_172 = arith.constant 0 : i32
    %dma_start3A_173 = tpu.memref_slice %dma_start3A_170[%dma_start3A_171, %dma_start3A_172] : memref<64x128xf32, #tpu.memory_space<vmem>> -> memref<32x128xf32, #tpu.memory_space<vmem>>
    %dma_start3A_174 = arith.constant 0 : i32
    %dma_start3A_175 = tpu.memref_slice %arg4[%dma_start3A_166, %add3A_164, %dma_start3A_174] : memref<4x2048x128xf32, #tpu.memory_space<hbm>> -> memref<1x32x128xf32, #tpu.memory_space<hbm>>
    %dma_start3A_176 = tpu.memref_squeeze %dma_start3A_175 : memref<1x32x128xf32, #tpu.memory_space<hbm>> -> memref<32x128xf32, #tpu.memory_space<hbm>>
    %dma_start3A_177 = arith.constant 0 : i32
    %dma_start3A_178 = tpu.memref_slice %arg4[%dma_start3A_166, %add3A_164, %dma_start3A_177] : memref<4x2048x128xf32, #tpu.memory_space<hbm>> -> memref<1x32x128xf32, #tpu.memory_space<hbm>>
    %dma_start3A_179 = tpu.memref_squeeze %dma_start3A_178 : memref<1x32x128xf32, #tpu.memory_space<hbm>> -> memref<32x128xf32, #tpu.memory_space<hbm>>
    %dma_start3A_180 = arith.constant 0 : i32
    %dma_start3A_181 = arith.constant 0 : i32
    %dma_start3A_182 = tpu.memref_slice %arg6[%dma_start3A_165, %dma_start3A_180, %dma_start3A_181] : memref<4x64x128xf32, #tpu.memory_space<vmem>> -> memref<1x64x128xf32, #tpu.memory_space<vmem>>
    %dma_start3A_183 = tpu.memref_squeeze %dma_start3A_182 : memref<1x64x128xf32, #tpu.memory_space<vmem>> -> memref<64x128xf32, #tpu.memory_space<vmem>>
    %dma_start3A_184 = arith.constant 0 : i32
    %dma_start3A_185 = arith.constant 0 : i32
    %dma_start3A_186 = tpu.memref_slice %dma_start3A_183[%dma_start3A_184, %dma_start3A_185] : memref<64x128xf32, #tpu.memory_space<vmem>> -> memref<32x128xf32, #tpu.memory_space<vmem>>
    tpu.enqueue_dma source(%dma_start3A_186 : memref<32x128xf32, #tpu.memory_space<vmem>>) target(%dma_start3A_179 : memref<32x128xf32, #tpu.memory_space<hbm>>) target_semaphore(%arg8 : memref<!tpu.dma_semaphore, #tpu.memory_space<semaphore_mem>>)
    %add3A_187 = arith.constant 0 : i32
    %add3A_188 = arith.addi %mul3A_2, %add3A_187 : i32
    %dma_start3A_189 = arith.constant 2 : i32
    %dma_start3A_190 = arith.constant 2 : i32
    %dma_start3A_191 = arith.constant 0 : i32
    %dma_start3A_192 = arith.constant 0 : i32
    %dma_start3A_193 = tpu.memref_slice %arg6[%dma_start3A_189, %dma_start3A_191, %dma_start3A_192] : memref<4x64x128xf32, #tpu.memory_space<vmem>> -> memref<1x64x128xf32, #tpu.memory_space<vmem>>
    %dma_start3A_194 = tpu.memref_squeeze %dma_start3A_193 : memref<1x64x128xf32, #tpu.memory_space<vmem>> -> memref<64x128xf32, #tpu.memory_space<vmem>>
    %dma_start3A_195 = arith.constant 0 : i32
    %dma_start3A_196 = arith.constant 0 : i32
    %dma_start3A_197 = tpu.memref_slice %dma_start3A_194[%dma_start3A_195, %dma_start3A_196] : memref<64x128xf32, #tpu.memory_space<vmem>> -> memref<32x128xf32, #tpu.memory_space<vmem>>
    %dma_start3A_198 = arith.constant 0 : i32
    %dma_start3A_199 = tpu.memref_slice %arg4[%dma_start3A_190, %add3A_188, %dma_start3A_198] : memref<4x2048x128xf32, #tpu.memory_space<hbm>> -> memref<1x32x128xf32, #tpu.memory_space<hbm>>
    %dma_start3A_200 = tpu.memref_squeeze %dma_start3A_199 : memref<1x32x128xf32, #tpu.memory_space<hbm>> -> memref<32x128xf32, #tpu.memory_space<hbm>>
    %dma_start3A_201 = arith.constant 0 : i32
    %dma_start3A_202 = tpu.memref_slice %arg4[%dma_start3A_190, %add3A_188, %dma_start3A_201] : memref<4x2048x128xf32, #tpu.memory_space<hbm>> -> memref<1x32x128xf32, #tpu.memory_space<hbm>>
    %dma_start3A_203 = tpu.memref_squeeze %dma_start3A_202 : memref<1x32x128xf32, #tpu.memory_space<hbm>> -> memref<32x128xf32, #tpu.memory_space<hbm>>
    %dma_start3A_204 = arith.constant 0 : i32
    %dma_start3A_205 = arith.constant 0 : i32
    %dma_start3A_206 = tpu.memref_slice %arg6[%dma_start3A_189, %dma_start3A_204, %dma_start3A_205] : memref<4x64x128xf32, #tpu.memory_space<vmem>> -> memref<1x64x128xf32, #tpu.memory_space<vmem>>
    %dma_start3A_207 = tpu.memref_squeeze %dma_start3A_206 : memref<1x64x128xf32, #tpu.memory_space<vmem>> -> memref<64x128xf32, #tpu.memory_space<vmem>>
    %dma_start3A_208 = arith.constant 0 : i32
    %dma_start3A_209 = arith.constant 0 : i32
    %dma_start3A_210 = tpu.memref_slice %dma_start3A_207[%dma_start3A_208, %dma_start3A_209] : memref<64x128xf32, #tpu.memory_space<vmem>> -> memref<32x128xf32, #tpu.memory_space<vmem>>
    tpu.enqueue_dma source(%dma_start3A_210 : memref<32x128xf32, #tpu.memory_space<vmem>>) target(%dma_start3A_203 : memref<32x128xf32, #tpu.memory_space<hbm>>) target_semaphore(%arg8 : memref<!tpu.dma_semaphore, #tpu.memory_space<semaphore_mem>>)
    %add3A_211 = arith.constant 0 : i32
    %add3A_212 = arith.addi %mul3A_2, %add3A_211 : i32
    %dma_start3A_213 = arith.constant 3 : i32
    %dma_start3A_214 = arith.constant 3 : i32
    %dma_start3A_215 = arith.constant 0 : i32
    %dma_start3A_216 = arith.constant 0 : i32
    %dma_start3A_217 = tpu.memref_slice %arg6[%dma_start3A_213, %dma_start3A_215, %dma_start3A_216] : memref<4x64x128xf32, #tpu.memory_space<vmem>> -> memref<1x64x128xf32, #tpu.memory_space<vmem>>
    %dma_start3A_218 = tpu.memref_squeeze %dma_start3A_217 : memref<1x64x128xf32, #tpu.memory_space<vmem>> -> memref<64x128xf32, #tpu.memory_space<vmem>>
    %dma_start3A_219 = arith.constant 0 : i32
    %dma_start3A_220 = arith.constant 0 : i32
    %dma_start3A_221 = tpu.memref_slice %dma_start3A_218[%dma_start3A_219, %dma_start3A_220] : memref<64x128xf32, #tpu.memory_space<vmem>> -> memref<32x128xf32, #tpu.memory_space<vmem>>
    %dma_start3A_222 = arith.constant 0 : i32
    %dma_start3A_223 = tpu.memref_slice %arg4[%dma_start3A_214, %add3A_212, %dma_start3A_222] : memref<4x2048x128xf32, #tpu.memory_space<hbm>> -> memref<1x32x128xf32, #tpu.memory_space<hbm>>
    %dma_start3A_224 = tpu.memref_squeeze %dma_start3A_223 : memref<1x32x128xf32, #tpu.memory_space<hbm>> -> memref<32x128xf32, #tpu.memory_space<hbm>>
    %dma_start3A_225 = arith.constant 0 : i32
    %dma_start3A_226 = tpu.memref_slice %arg4[%dma_start3A_214, %add3A_212, %dma_start3A_225] : memref<4x2048x128xf32, #tpu.memory_space<hbm>> -> memref<1x32x128xf32, #tpu.memory_space<hbm>>
    %dma_start3A_227 = tpu.memref_squeeze %dma_start3A_226 : memref<1x32x128xf32, #tpu.memory_space<hbm>> -> memref<32x128xf32, #tpu.memory_space<hbm>>
    %dma_start3A_228 = arith.constant 0 : i32
    %dma_start3A_229 = arith.constant 0 : i32
    %dma_start3A_230 = tpu.memref_slice %arg6[%dma_start3A_213, %dma_start3A_228, %dma_start3A_229] : memref<4x64x128xf32, #tpu.memory_space<vmem>> -> memref<1x64x128xf32, #tpu.memory_space<vmem>>
    %dma_start3A_231 = tpu.memref_squeeze %dma_start3A_230 : memref<1x64x128xf32, #tpu.memory_space<vmem>> -> memref<64x128xf32, #tpu.memory_space<vmem>>
    %dma_start3A_232 = arith.constant 0 : i32
    %dma_start3A_233 = arith.constant 0 : i32
    %dma_start3A_234 = tpu.memref_slice %dma_start3A_231[%dma_start3A_232, %dma_start3A_233] : memref<64x128xf32, #tpu.memory_space<vmem>> -> memref<32x128xf32, #tpu.memory_space<vmem>>
    tpu.enqueue_dma source(%dma_start3A_234 : memref<32x128xf32, #tpu.memory_space<vmem>>) target(%dma_start3A_227 : memref<32x128xf32, #tpu.memory_space<hbm>>) target_semaphore(%arg8 : memref<!tpu.dma_semaphore, #tpu.memory_space<semaphore_mem>>)
    %parallel_loop3A_235 = arith.constant 32 : i32
    %parallel_loop3A_236 = arith.constant 64 : i32
    %parallel_loop3A_237 = arith.constant 1 : i32
    scf.for %parallel_loop3A_510 = %parallel_loop3A_235 to %parallel_loop3A_236 step %parallel_loop3A_237  : i32 {
      %parallel_loop3A_511 = arith.index_cast %parallel_loop3A_510 : i32 to index
      %parallel_loop3A_512 = arith.constant 0 : index
      %parallel_loop3A_513 = tpu.vector_load %arg5[%parallel_loop3A_511, %parallel_loop3A_512] {strides = array<i32>} : memref<64x128xf32, #tpu.memory_space<vmem>>, vector<1x16xf32>,
      %parallel_loop3A_514 = vector.shape_cast %parallel_loop3A_513 : vector<1x16xf32> to vector<1x16xf32>
      %parallel_loop3A_515 = arith.constant 0 : i32
      %parallel_loop3A_516 = arith.constant 0 : i32
      %parallel_loop3A_517 = arith.constant 0 : i32
      %parallel_loop3A_518 = tpu.memref_slice %arg6[%parallel_loop3A_515, %parallel_loop3A_516, %parallel_loop3A_517] : memref<4x64x128xf32, #tpu.memory_space<vmem>> -> memref<1x64x128xf32, #tpu.memory_space<vmem>>
      %parallel_loop3A_519 = tpu.memref_squeeze %parallel_loop3A_518 : memref<1x64x128xf32, #tpu.memory_space<vmem>> -> memref<64x128xf32, #tpu.memory_space<vmem>>
      %parallel_loop3A_520 = arith.index_cast %parallel_loop3A_510 : i32 to index
      %parallel_loop3A_521 = arith.constant 0 : index
      %parallel_loop3A_522 = tpu.vector_load %parallel_loop3A_519[%parallel_loop3A_520, %parallel_loop3A_521] {strides = array<i32>} : memref<64x128xf32, #tpu.memory_space<vmem>>, vector<1x16xf32>,
      %parallel_loop3A_523 = vector.shape_cast %parallel_loop3A_522 : vector<1x16xf32> to vector<1x16xf32>
      %parallel_loop3A_524 = vector.shape_cast %parallel_loop3A_514 : vector<1x16xf32> to vector<1x16xf32>
      tpu.vector_store %parallel_loop3A_519[%parallel_loop3A_520, %parallel_loop3A_521], %parallel_loop3A_524 {add = true, strides = array<i32>} : memref<64x128xf32, #tpu.memory_space<vmem>>, vector<1x16xf32>,
      %parallel_loop3A_525 = arith.constant 1 : i32
      %parallel_loop3A_526 = arith.constant 0 : i32
      %parallel_loop3A_527 = arith.constant 0 : i32
      %parallel_loop3A_528 = tpu.memref_slice %arg6[%parallel_loop3A_525, %parallel_loop3A_526, %parallel_loop3A_527] : memref<4x64x128xf32, #tpu.memory_space<vmem>> -> memref<1x64x128xf32, #tpu.memory_space<vmem>>
      %parallel_loop3A_529 = tpu.memref_squeeze %parallel_loop3A_528 : memref<1x64x128xf32, #tpu.memory_space<vmem>> -> memref<64x128xf32, #tpu.memory_space<vmem>>
      %parallel_loop3A_530 = arith.index_cast %parallel_loop3A_510 : i32 to index
      %parallel_loop3A_531 = arith.constant 0 : index
      %parallel_loop3A_532 = tpu.vector_load %parallel_loop3A_529[%parallel_loop3A_530, %parallel_loop3A_531] {strides = array<i32>} : memref<64x128xf32, #tpu.memory_space<vmem>>, vector<1x16xf32>,
      %parallel_loop3A_533 = vector.shape_cast %parallel_loop3A_532 : vector<1x16xf32> to vector<1x16xf32>
      %parallel_loop3A_534 = vector.shape_cast %parallel_loop3A_514 : vector<1x16xf32> to vector<1x16xf32>
      tpu.vector_store %parallel_loop3A_529[%parallel_loop3A_530, %parallel_loop3A_531], %parallel_loop3A_534 {add = true, strides = array<i32>} : memref<64x128xf32, #tpu.memory_space<vmem>>, vector<1x16xf32>,
      %parallel_loop3A_535 = arith.constant 2 : i32
      %parallel_loop3A_536 = arith.constant 0 : i32
      %parallel_loop3A_537 = arith.constant 0 : i32
      %parallel_loop3A_538 = tpu.memref_slice %arg6[%parallel_loop3A_535, %parallel_loop3A_536, %parallel_loop3A_537] : memref<4x64x128xf32, #tpu.memory_space<vmem>> -> memref<1x64x128xf32, #tpu.memory_space<vmem>>
      %parallel_loop3A_539 = tpu.memref_squeeze %parallel_loop3A_538 : memref<1x64x128xf32, #tpu.memory_space<vmem>> -> memref<64x128xf32, #tpu.memory_space<vmem>>
      %parallel_loop3A_540 = arith.index_cast %parallel_loop3A_510 : i32 to index
      %parallel_loop3A_541 = arith.constant 0 : index
      %parallel_loop3A_542 = tpu.vector_load %parallel_loop3A_539[%parallel_loop3A_540, %parallel_loop3A_541] {strides = array<i32>} : memref<64x128xf32, #tpu.memory_space<vmem>>, vector<1x16xf32>,
      %parallel_loop3A_543 = vector.shape_cast %parallel_loop3A_542 : vector<1x16xf32> to vector<1x16xf32>
      %parallel_loop3A_544 = vector.shape_cast %parallel_loop3A_514 : vector<1x16xf32> to vector<1x16xf32>
      tpu.vector_store %parallel_loop3A_539[%parallel_loop3A_540, %parallel_loop3A_541], %parallel_loop3A_544 {add = true, strides = array<i32>} : memref<64x128xf32, #tpu.memory_space<vmem>>, vector<1x16xf32>,
      %parallel_loop3A_545 = arith.constant 3 : i32
      %parallel_loop3A_546 = arith.constant 0 : i32
      %parallel_loop3A_547 = arith.constant 0 : i32
      %parallel_loop3A_548 = tpu.memref_slice %arg6[%parallel_loop3A_545, %parallel_loop3A_546, %parallel_loop3A_547] : memref<4x64x128xf32, #tpu.memory_space<vmem>> -> memref<1x64x128xf32, #tpu.memory_space<vmem>>
      %parallel_loop3A_549 = tpu.memref_squeeze %parallel_loop3A_548 : memref<1x64x128xf32, #tpu.memory_space<vmem>> -> memref<64x128xf32, #tpu.memory_space<vmem>>
      %parallel_loop3A_550 = arith.index_cast %parallel_loop3A_510 : i32 to index
      %parallel_loop3A_551 = arith.constant 0 : index
      %parallel_loop3A_552 = tpu.vector_load %parallel_loop3A_549[%parallel_loop3A_550, %parallel_loop3A_551] {strides = array<i32>} : memref<64x128xf32, #tpu.memory_space<vmem>>, vector<1x16xf32>,
      %parallel_loop3A_553 = vector.shape_cast %parallel_loop3A_552 : vector<1x16xf32> to vector<1x16xf32>
      %parallel_loop3A_554 = vector.shape_cast %parallel_loop3A_514 : vector<1x16xf32> to vector<1x16xf32>
      tpu.vector_store %parallel_loop3A_549[%parallel_loop3A_550, %parallel_loop3A_551], %parallel_loop3A_554 {add = true, strides = array<i32>} : memref<64x128xf32, #tpu.memory_space<vmem>>, vector<1x16xf32>,
      %parallel_loop3A_555 = arith.index_cast %parallel_loop3A_510 : i32 to index
      %parallel_loop3A_556 = arith.constant 16 : index
      %parallel_loop3A_557 = tpu.vector_load %arg5[%parallel_loop3A_555, %parallel_loop3A_556] {strides = array<i32>} : memref<64x128xf32, #tpu.memory_space<vmem>>, vector<1x16xf32>,
      %parallel_loop3A_558 = vector.shape_cast %parallel_loop3A_557 : vector<1x16xf32> to vector<1x16xf32>
      %parallel_loop3A_559 = arith.constant 0 : i32
      %parallel_loop3A_560 = arith.constant 0 : i32
      %parallel_loop3A_561 = arith.constant 0 : i32
      %parallel_loop3A_562 = tpu.memref_slice %arg6[%parallel_loop3A_559, %parallel_loop3A_560, %parallel_loop3A_561] : memref<4x64x128xf32, #tpu.memory_space<vmem>> -> memref<1x64x128xf32, #tpu.memory_space<vmem>>
      %parallel_loop3A_563 = tpu.memref_squeeze %parallel_loop3A_562 : memref<1x64x128xf32, #tpu.memory_space<vmem>> -> memref<64x128xf32, #tpu.memory_space<vmem>>
      %parallel_loop3A_564 = arith.index_cast %parallel_loop3A_510 : i32 to index
      %parallel_loop3A_565 = arith.constant 16 : index
      %parallel_loop3A_566 = tpu.vector_load %parallel_loop3A_563[%parallel_loop3A_564, %parallel_loop3A_565] {strides = array<i32>} : memref<64x128xf32, #tpu.memory_space<vmem>>, vector<1x16xf32>,
      %parallel_loop3A_567 = vector.shape_cast %parallel_loop3A_566 : vector<1x16xf32> to vector<1x16xf32>
      %parallel_loop3A_568 = vector.shape_cast %parallel_loop3A_558 : vector<1x16xf32> to vector<1x16xf32>
      tpu.vector_store %parallel_loop3A_563[%parallel_loop3A_564, %parallel_loop3A_565], %parallel_loop3A_568 {add = true, strides = array<i32>} : memref<64x128xf32, #tpu.memory_space<vmem>>, vector<1x16xf32>,
      %parallel_loop3A_569 = arith.constant 1 : i32
      %parallel_loop3A_570 = arith.constant 0 : i32
      %parallel_loop3A_571 = arith.constant 0 : i32
      %parallel_loop3A_572 = tpu.memref_slice %arg6[%parallel_loop3A_569, %parallel_loop3A_570, %parallel_loop3A_571] : memref<4x64x128xf32, #tpu.memory_space<vmem>> -> memref<1x64x128xf32, #tpu.memory_space<vmem>>
      %parallel_loop3A_573 = tpu.memref_squeeze %parallel_loop3A_572 : memref<1x64x128xf32, #tpu.memory_space<vmem>> -> memref<64x128xf32, #tpu.memory_space<vmem>>
      %parallel_loop3A_574 = arith.index_cast %parallel_loop3A_510 : i32 to index
      %parallel_loop3A_575 = arith.constant 16 : index
      %parallel_loop3A_576 = tpu.vector_load %parallel_loop3A_573[%parallel_loop3A_574, %parallel_loop3A_575] {strides = array<i32>} : memref<64x128xf32, #tpu.memory_space<vmem>>, vector<1x16xf32>,
      %parallel_loop3A_577 = vector.shape_cast %parallel_loop3A_576 : vector<1x16xf32> to vector<1x16xf32>
      %parallel_loop3A_578 = vector.shape_cast %parallel_loop3A_558 : vector<1x16xf32> to vector<1x16xf32>
      tpu.vector_store %parallel_loop3A_573[%parallel_loop3A_574, %parallel_loop3A_575], %parallel_loop3A_578 {add = true, strides = array<i32>} : memref<64x128xf32, #tpu.memory_space<vmem>>, vector<1x16xf32>,
      %parallel_loop3A_579 = arith.constant 2 : i32
      %parallel_loop3A_580 = arith.constant 0 : i32
      %parallel_loop3A_581 = arith.constant 0 : i32
      %parallel_loop3A_582 = tpu.memref_slice %arg6[%parallel_loop3A_579, %parallel_loop3A_580, %parallel_loop3A_581] : memref<4x64x128xf32, #tpu.memory_space<vmem>> -> memref<1x64x128xf32, #tpu.memory_space<vmem>>
      %parallel_loop3A_583 = tpu.memref_squeeze %parallel_loop3A_582 : memref<1x64x128xf32, #tpu.memory_space<vmem>> -> memref<64x128xf32, #tpu.memory_space<vmem>>
      %parallel_loop3A_584 = arith.index_cast %parallel_loop3A_510 : i32 to index
      %parallel_loop3A_585 = arith.constant 16 : index
      %parallel_loop3A_586 = tpu.vector_load %parallel_loop3A_583[%parallel_loop3A_584, %parallel_loop3A_585] {strides = array<i32>} : memref<64x128xf32, #tpu.memory_space<vmem>>, vector<1x16xf32>,
      %parallel_loop3A_587 = vector.shape_cast %parallel_loop3A_586 : vector<1x16xf32> to vector<1x16xf32>
      %parallel_loop3A_588 = vector.shape_cast %parallel_loop3A_558 : vector<1x16xf32> to vector<1x16xf32>
      tpu.vector_store %parallel_loop3A_583[%parallel_loop3A_584, %parallel_loop3A_585], %parallel_loop3A_588 {add = true, strides = array<i32>} : memref<64x128xf32, #tpu.memory_space<vmem>>, vector<1x16xf32>,
      %parallel_loop3A_589 = arith.constant 3 : i32
      %parallel_loop3A_590 = arith.constant 0 : i32
      %parallel_loop3A_591 = arith.constant 0 : i32
      %parallel_loop3A_592 = tpu.memref_slice %arg6[%parallel_loop3A_589, %parallel_loop3A_590, %parallel_loop3A_591] : memref<4x64x128xf32, #tpu.memory_space<vmem>> -> memref<1x64x128xf32, #tpu.memory_space<vmem>>
      %parallel_loop3A_593 = tpu.memref_squeeze %parallel_loop3A_592 : memref<1x64x128xf32, #tpu.memory_space<vmem>> -> memref<64x128xf32, #tpu.memory_space<vmem>>
      %parallel_loop3A_594 = arith.index_cast %parallel_loop3A_510 : i32 to index
      %parallel_loop3A_595 = arith.constant 16 : index
      %parallel_loop3A_596 = tpu.vector_load %parallel_loop3A_593[%parallel_loop3A_594, %parallel_loop3A_595] {strides = array<i32>} : memref<64x128xf32, #tpu.memory_space<vmem>>, vector<1x16xf32>,
      %parallel_loop3A_597 = vector.shape_cast %parallel_loop3A_596 : vector<1x16xf32> to vector<1x16xf32>
      %parallel_loop3A_598 = vector.shape_cast %parallel_loop3A_558 : vector<1x16xf32> to vector<1x16xf32>
      tpu.vector_store %parallel_loop3A_593[%parallel_loop3A_594, %parallel_loop3A_595], %parallel_loop3A_598 {add = true, strides = array<i32>} : memref<64x128xf32, #tpu.memory_space<vmem>>, vector<1x16xf32>,
      %parallel_loop3A_599 = arith.index_cast %parallel_loop3A_510 : i32 to index
      %parallel_loop3A_600 = arith.constant 32 : index
      %parallel_loop3A_601 = tpu.vector_load %arg5[%parallel_loop3A_599, %parallel_loop3A_600] {strides = array<i32>} : memref<64x128xf32, #tpu.memory_space<vmem>>, vector<1x16xf32>,
      %parallel_loop3A_602 = vector.shape_cast %parallel_loop3A_601 : vector<1x16xf32> to vector<1x16xf32>
      %parallel_loop3A_603 = arith.constant 0 : i32
      %parallel_loop3A_604 = arith.constant 0 : i32
      %parallel_loop3A_605 = arith.constant 0 : i32
      %parallel_loop3A_606 = tpu.memref_slice %arg6[%parallel_loop3A_603, %parallel_loop3A_604, %parallel_loop3A_605] : memref<4x64x128xf32, #tpu.memory_space<vmem>> -> memref<1x64x128xf32, #tpu.memory_space<vmem>>
      %parallel_loop3A_607 = tpu.memref_squeeze %parallel_loop3A_606 : memref<1x64x128xf32, #tpu.memory_space<vmem>> -> memref<64x128xf32, #tpu.memory_space<vmem>>
      %parallel_loop3A_608 = arith.index_cast %parallel_loop3A_510 : i32 to index
      %parallel_loop3A_609 = arith.constant 32 : index
      %parallel_loop3A_610 = tpu.vector_load %parallel_loop3A_607[%parallel_loop3A_608, %parallel_loop3A_609] {strides = array<i32>} : memref<64x128xf32, #tpu.memory_space<vmem>>, vector<1x16xf32>,
      %parallel_loop3A_611 = vector.shape_cast %parallel_loop3A_610 : vector<1x16xf32> to vector<1x16xf32>
      %parallel_loop3A_612 = vector.shape_cast %parallel_loop3A_602 : vector<1x16xf32> to vector<1x16xf32>
      tpu.vector_store %parallel_loop3A_607[%parallel_loop3A_608, %parallel_loop3A_609], %parallel_loop3A_612 {add = true, strides = array<i32>} : memref<64x128xf32, #tpu.memory_space<vmem>>, vector<1x16xf32>,
      %parallel_loop3A_613 = arith.constant 1 : i32
      %parallel_loop3A_614 = arith.constant 0 : i32
      %parallel_loop3A_615 = arith.constant 0 : i32
      %parallel_loop3A_616 = tpu.memref_slice %arg6[%parallel_loop3A_613, %parallel_loop3A_614, %parallel_loop3A_615] : memref<4x64x128xf32, #tpu.memory_space<vmem>> -> memref<1x64x128xf32, #tpu.memory_space<vmem>>
      %parallel_loop3A_617 = tpu.memref_squeeze %parallel_loop3A_616 : memref<1x64x128xf32, #tpu.memory_space<vmem>> -> memref<64x128xf32, #tpu.memory_space<vmem>>
      %parallel_loop3A_618 = arith.index_cast %parallel_loop3A_510 : i32 to index
      %parallel_loop3A_619 = arith.constant 32 : index
      %parallel_loop3A_620 = tpu.vector_load %parallel_loop3A_617[%parallel_loop3A_618, %parallel_loop3A_619] {strides = array<i32>} : memref<64x128xf32, #tpu.memory_space<vmem>>, vector<1x16xf32>,
      %parallel_loop3A_621 = vector.shape_cast %parallel_loop3A_620 : vector<1x16xf32> to vector<1x16xf32>
      %parallel_loop3A_622 = vector.shape_cast %parallel_loop3A_602 : vector<1x16xf32> to vector<1x16xf32>
      tpu.vector_store %parallel_loop3A_617[%parallel_loop3A_618, %parallel_loop3A_619], %parallel_loop3A_622 {add = true, strides = array<i32>} : memref<64x128xf32, #tpu.memory_space<vmem>>, vector<1x16xf32>,
      %parallel_loop3A_623 = arith.constant 2 : i32
      %parallel_loop3A_624 = arith.constant 0 : i32
      %parallel_loop3A_625 = arith.constant 0 : i32
      %parallel_loop3A_626 = tpu.memref_slice %arg6[%parallel_loop3A_623, %parallel_loop3A_624, %parallel_loop3A_625] : memref<4x64x128xf32, #tpu.memory_space<vmem>> -> memref<1x64x128xf32, #tpu.memory_space<vmem>>
      %parallel_loop3A_627 = tpu.memref_squeeze %parallel_loop3A_626 : memref<1x64x128xf32, #tpu.memory_space<vmem>> -> memref<64x128xf32, #tpu.memory_space<vmem>>
      %parallel_loop3A_628 = arith.index_cast %parallel_loop3A_510 : i32 to index
      %parallel_loop3A_629 = arith.constant 32 : index
      %parallel_loop3A_630 = tpu.vector_load %parallel_loop3A_627[%parallel_loop3A_628, %parallel_loop3A_629] {strides = array<i32>} : memref<64x128xf32, #tpu.memory_space<vmem>>, vector<1x16xf32>,
      %parallel_loop3A_631 = vector.shape_cast %parallel_loop3A_630 : vector<1x16xf32> to vector<1x16xf32>
      %parallel_loop3A_632 = vector.shape_cast %parallel_loop3A_602 : vector<1x16xf32> to vector<1x16xf32>
      tpu.vector_store %parallel_loop3A_627[%parallel_loop3A_628, %parallel_loop3A_629], %parallel_loop3A_632 {add = true, strides = array<i32>} : memref<64x128xf32, #tpu.memory_space<vmem>>, vector<1x16xf32>,
      %parallel_loop3A_633 = arith.constant 3 : i32
      %parallel_loop3A_634 = arith.constant 0 : i32
      %parallel_loop3A_635 = arith.constant 0 : i32
      %parallel_loop3A_636 = tpu.memref_slice %arg6[%parallel_loop3A_633, %parallel_loop3A_634, %parallel_loop3A_635] : memref<4x64x128xf32, #tpu.memory_space<vmem>> -> memref<1x64x128xf32, #tpu.memory_space<vmem>>
      %parallel_loop3A_637 = tpu.memref_squeeze %parallel_loop3A_636 : memref<1x64x128xf32, #tpu.memory_space<vmem>> -> memref<64x128xf32, #tpu.memory_space<vmem>>
      %parallel_loop3A_638 = arith.index_cast %parallel_loop3A_510 : i32 to index
      %parallel_loop3A_639 = arith.constant 32 : index
      %parallel_loop3A_640 = tpu.vector_load %parallel_loop3A_637[%parallel_loop3A_638, %parallel_loop3A_639] {strides = array<i32>} : memref<64x128xf32, #tpu.memory_space<vmem>>, vector<1x16xf32>,
      %parallel_loop3A_641 = vector.shape_cast %parallel_loop3A_640 : vector<1x16xf32> to vector<1x16xf32>
      %parallel_loop3A_642 = vector.shape_cast %parallel_loop3A_602 : vector<1x16xf32> to vector<1x16xf32>
      tpu.vector_store %parallel_loop3A_637[%parallel_loop3A_638, %parallel_loop3A_639], %parallel_loop3A_642 {add = true, strides = array<i32>} : memref<64x128xf32, #tpu.memory_space<vmem>>, vector<1x16xf32>,
      %parallel_loop3A_643 = arith.index_cast %parallel_loop3A_510 : i32 to index
      %parallel_loop3A_644 = arith.constant 48 : index
      %parallel_loop3A_645 = tpu.vector_load %arg5[%parallel_loop3A_643, %parallel_loop3A_644] {strides = array<i32>} : memref<64x128xf32, #tpu.memory_space<vmem>>, vector<1x16xf32>,
      %parallel_loop3A_646 = vector.shape_cast %parallel_loop3A_645 : vector<1x16xf32> to vector<1x16xf32>
      %parallel_loop3A_647 = arith.constant 0 : i32
      %parallel_loop3A_648 = arith.constant 0 : i32
      %parallel_loop3A_649 = arith.constant 0 : i32
      %parallel_loop3A_650 = tpu.memref_slice %arg6[%parallel_loop3A_647, %parallel_loop3A_648, %parallel_loop3A_649] : memref<4x64x128xf32, #tpu.memory_space<vmem>> -> memref<1x64x128xf32, #tpu.memory_space<vmem>>
      %parallel_loop3A_651 = tpu.memref_squeeze %parallel_loop3A_650 : memref<1x64x128xf32, #tpu.memory_space<vmem>> -> memref<64x128xf32, #tpu.memory_space<vmem>>
      %parallel_loop3A_652 = arith.index_cast %parallel_loop3A_510 : i32 to index
      %parallel_loop3A_653 = arith.constant 48 : index
      %parallel_loop3A_654 = tpu.vector_load %parallel_loop3A_651[%parallel_loop3A_652, %parallel_loop3A_653] {strides = array<i32>} : memref<64x128xf32, #tpu.memory_space<vmem>>, vector<1x16xf32>,
      %parallel_loop3A_655 = vector.shape_cast %parallel_loop3A_654 : vector<1x16xf32> to vector<1x16xf32>
      %parallel_loop3A_656 = vector.shape_cast %parallel_loop3A_646 : vector<1x16xf32> to vector<1x16xf32>
      tpu.vector_store %parallel_loop3A_651[%parallel_loop3A_652, %parallel_loop3A_653], %parallel_loop3A_656 {add = true, strides = array<i32>} : memref<64x128xf32, #tpu.memory_space<vmem>>, vector<1x16xf32>,
      %parallel_loop3A_657 = arith.constant 1 : i32
      %parallel_loop3A_658 = arith.constant 0 : i32
      %parallel_loop3A_659 = arith.constant 0 : i32
      %parallel_loop3A_660 = tpu.memref_slice %arg6[%parallel_loop3A_657, %parallel_loop3A_658, %parallel_loop3A_659] : memref<4x64x128xf32, #tpu.memory_space<vmem>> -> memref<1x64x128xf32, #tpu.memory_space<vmem>>
      %parallel_loop3A_661 = tpu.memref_squeeze %parallel_loop3A_660 : memref<1x64x128xf32, #tpu.memory_space<vmem>> -> memref<64x128xf32, #tpu.memory_space<vmem>>
      %parallel_loop3A_662 = arith.index_cast %parallel_loop3A_510 : i32 to index
      %parallel_loop3A_663 = arith.constant 48 : index
      %parallel_loop3A_664 = tpu.vector_load %parallel_loop3A_661[%parallel_loop3A_662, %parallel_loop3A_663] {strides = array<i32>} : memref<64x128xf32, #tpu.memory_space<vmem>>, vector<1x16xf32>,
      %parallel_loop3A_665 = vector.shape_cast %parallel_loop3A_664 : vector<1x16xf32> to vector<1x16xf32>
      %parallel_loop3A_666 = vector.shape_cast %parallel_loop3A_646 : vector<1x16xf32> to vector<1x16xf32>
      tpu.vector_store %parallel_loop3A_661[%parallel_loop3A_662, %parallel_loop3A_663], %parallel_loop3A_666 {add = true, strides = array<i32>} : memref<64x128xf32, #tpu.memory_space<vmem>>, vector<1x16xf32>,
      %parallel_loop3A_667 = arith.constant 2 : i32
      %parallel_loop3A_668 = arith.constant 0 : i32
      %parallel_loop3A_669 = arith.constant 0 : i32
      %parallel_loop3A_670 = tpu.memref_slice %arg6[%parallel_loop3A_667, %parallel_loop3A_668, %parallel_loop3A_669] : memref<4x64x128xf32, #tpu.memory_space<vmem>> -> memref<1x64x128xf32, #tpu.memory_space<vmem>>
      %parallel_loop3A_671 = tpu.memref_squeeze %parallel_loop3A_670 : memref<1x64x128xf32, #tpu.memory_space<vmem>> -> memref<64x128xf32, #tpu.memory_space<vmem>>
      %parallel_loop3A_672 = arith.index_cast %parallel_loop3A_510 : i32 to index
      %parallel_loop3A_673 = arith.constant 48 : index
      %parallel_loop3A_674 = tpu.vector_load %parallel_loop3A_671[%parallel_loop3A_672, %parallel_loop3A_673] {strides = array<i32>} : memref<64x128xf32, #tpu.memory_space<vmem>>, vector<1x16xf32>,
      %parallel_loop3A_675 = vector.shape_cast %parallel_loop3A_674 : vector<1x16xf32> to vector<1x16xf32>
      %parallel_loop3A_676 = vector.shape_cast %parallel_loop3A_646 : vector<1x16xf32> to vector<1x16xf32>
      tpu.vector_store %parallel_loop3A_671[%parallel_loop3A_672, %parallel_loop3A_673], %parallel_loop3A_676 {add = true, strides = array<i32>} : memref<64x128xf32, #tpu.memory_space<vmem>>, vector<1x16xf32>,
      %parallel_loop3A_677 = arith.constant 3 : i32
      %parallel_loop3A_678 = arith.constant 0 : i32
      %parallel_loop3A_679 = arith.constant 0 : i32
      %parallel_loop3A_680 = tpu.memref_slice %arg6[%parallel_loop3A_677, %parallel_loop3A_678, %parallel_loop3A_679] : memref<4x64x128xf32, #tpu.memory_space<vmem>> -> memref<1x64x128xf32, #tpu.memory_space<vmem>>
      %parallel_loop3A_681 = tpu.memref_squeeze %parallel_loop3A_680 : memref<1x64x128xf32, #tpu.memory_space<vmem>> -> memref<64x128xf32, #tpu.memory_space<vmem>>
      %parallel_loop3A_682 = arith.index_cast %parallel_loop3A_510 : i32 to index
      %parallel_loop3A_683 = arith.constant 48 : index
      %parallel_loop3A_684 = tpu.vector_load %parallel_loop3A_681[%parallel_loop3A_682, %parallel_loop3A_683] {strides = array<i32>} : memref<64x128xf32, #tpu.memory_space<vmem>>, vector<1x16xf32>,
      %parallel_loop3A_685 = vector.shape_cast %parallel_loop3A_684 : vector<1x16xf32> to vector<1x16xf32>
      %parallel_loop3A_686 = vector.shape_cast %parallel_loop3A_646 : vector<1x16xf32> to vector<1x16xf32>
      tpu.vector_store %parallel_loop3A_681[%parallel_loop3A_682, %parallel_loop3A_683], %parallel_loop3A_686 {add = true, strides = array<i32>} : memref<64x128xf32, #tpu.memory_space<vmem>>, vector<1x16xf32>,
      %parallel_loop3A_687 = arith.index_cast %parallel_loop3A_510 : i32 to index
      %parallel_loop3A_688 = arith.constant 64 : index
      %parallel_loop3A_689 = tpu.vector_load %arg5[%parallel_loop3A_687, %parallel_loop3A_688] {strides = array<i32>} : memref<64x128xf32, #tpu.memory_space<vmem>>, vector<1x16xf32>,
      %parallel_loop3A_690 = vector.shape_cast %parallel_loop3A_689 : vector<1x16xf32> to vector<1x16xf32>
      %parallel_loop3A_691 = arith.constant 0 : i32
      %parallel_loop3A_692 = arith.constant 0 : i32
      %parallel_loop3A_693 = arith.constant 0 : i32
      %parallel_loop3A_694 = tpu.memref_slice %arg6[%parallel_loop3A_691, %parallel_loop3A_692, %parallel_loop3A_693] : memref<4x64x128xf32, #tpu.memory_space<vmem>> -> memref<1x64x128xf32, #tpu.memory_space<vmem>>
      %parallel_loop3A_695 = tpu.memref_squeeze %parallel_loop3A_694 : memref<1x64x128xf32, #tpu.memory_space<vmem>> -> memref<64x128xf32, #tpu.memory_space<vmem>>
      %parallel_loop3A_696 = arith.index_cast %parallel_loop3A_510 : i32 to index
      %parallel_loop3A_697 = arith.constant 64 : index
      %parallel_loop3A_698 = tpu.vector_load %parallel_loop3A_695[%parallel_loop3A_696, %parallel_loop3A_697] {strides = array<i32>} : memref<64x128xf32, #tpu.memory_space<vmem>>, vector<1x16xf32>,
      %parallel_loop3A_699 = vector.shape_cast %parallel_loop3A_698 : vector<1x16xf32> to vector<1x16xf32>
      %parallel_loop3A_700 = vector.shape_cast %parallel_loop3A_690 : vector<1x16xf32> to vector<1x16xf32>
      tpu.vector_store %parallel_loop3A_695[%parallel_loop3A_696, %parallel_loop3A_697], %parallel_loop3A_700 {add = true, strides = array<i32>} : memref<64x128xf32, #tpu.memory_space<vmem>>, vector<1x16xf32>,
      %parallel_loop3A_701 = arith.constant 1 : i32
      %parallel_loop3A_702 = arith.constant 0 : i32
      %parallel_loop3A_703 = arith.constant 0 : i32
      %parallel_loop3A_704 = tpu.memref_slice %arg6[%parallel_loop3A_701, %parallel_loop3A_702, %parallel_loop3A_703] : memref<4x64x128xf32, #tpu.memory_space<vmem>> -> memref<1x64x128xf32, #tpu.memory_space<vmem>>
      %parallel_loop3A_705 = tpu.memref_squeeze %parallel_loop3A_704 : memref<1x64x128xf32, #tpu.memory_space<vmem>> -> memref<64x128xf32, #tpu.memory_space<vmem>>
      %parallel_loop3A_706 = arith.index_cast %parallel_loop3A_510 : i32 to index
      %parallel_loop3A_707 = arith.constant 64 : index
      %parallel_loop3A_708 = tpu.vector_load %parallel_loop3A_705[%parallel_loop3A_706, %parallel_loop3A_707] {strides = array<i32>} : memref<64x128xf32, #tpu.memory_space<vmem>>, vector<1x16xf32>,
      %parallel_loop3A_709 = vector.shape_cast %parallel_loop3A_708 : vector<1x16xf32> to vector<1x16xf32>
      %parallel_loop3A_710 = vector.shape_cast %parallel_loop3A_690 : vector<1x16xf32> to vector<1x16xf32>
      tpu.vector_store %parallel_loop3A_705[%parallel_loop3A_706, %parallel_loop3A_707], %parallel_loop3A_710 {add = true, strides = array<i32>} : memref<64x128xf32, #tpu.memory_space<vmem>>, vector<1x16xf32>,
      %parallel_loop3A_711 = arith.constant 2 : i32
      %parallel_loop3A_712 = arith.constant 0 : i32
      %parallel_loop3A_713 = arith.constant 0 : i32
      %parallel_loop3A_714 = tpu.memref_slice %arg6[%parallel_loop3A_711, %parallel_loop3A_712, %parallel_loop3A_713] : memref<4x64x128xf32, #tpu.memory_space<vmem>> -> memref<1x64x128xf32, #tpu.memory_space<vmem>>
      %parallel_loop3A_715 = tpu.memref_squeeze %parallel_loop3A_714 : memref<1x64x128xf32, #tpu.memory_space<vmem>> -> memref<64x128xf32, #tpu.memory_space<vmem>>
      %parallel_loop3A_716 = arith.index_cast %parallel_loop3A_510 : i32 to index
      %parallel_loop3A_717 = arith.constant 64 : index
      %parallel_loop3A_718 = tpu.vector_load %parallel_loop3A_715[%parallel_loop3A_716, %parallel_loop3A_717] {strides = array<i32>} : memref<64x128xf32, #tpu.memory_space<vmem>>, vector<1x16xf32>,
      %parallel_loop3A_719 = vector.shape_cast %parallel_loop3A_718 : vector<1x16xf32> to vector<1x16xf32>
      %parallel_loop3A_720 = vector.shape_cast %parallel_loop3A_690 : vector<1x16xf32> to vector<1x16xf32>
      tpu.vector_store %parallel_loop3A_715[%parallel_loop3A_716, %parallel_loop3A_717], %parallel_loop3A_720 {add = true, strides = array<i32>} : memref<64x128xf32, #tpu.memory_space<vmem>>, vector<1x16xf32>,
      %parallel_loop3A_721 = arith.constant 3 : i32
      %parallel_loop3A_722 = arith.constant 0 : i32
      %parallel_loop3A_723 = arith.constant 0 : i32
      %parallel_loop3A_724 = tpu.memref_slice %arg6[%parallel_loop3A_721, %parallel_loop3A_722, %parallel_loop3A_723] : memref<4x64x128xf32, #tpu.memory_space<vmem>> -> memref<1x64x128xf32, #tpu.memory_space<vmem>>
      %parallel_loop3A_725 = tpu.memref_squeeze %parallel_loop3A_724 : memref<1x64x128xf32, #tpu.memory_space<vmem>> -> memref<64x128xf32, #tpu.memory_space<vmem>>
      %parallel_loop3A_726 = arith.index_cast %parallel_loop3A_510 : i32 to index
      %parallel_loop3A_727 = arith.constant 64 : index
      %parallel_loop3A_728 = tpu.vector_load %parallel_loop3A_725[%parallel_loop3A_726, %parallel_loop3A_727] {strides = array<i32>} : memref<64x128xf32, #tpu.memory_space<vmem>>, vector<1x16xf32>,
      %parallel_loop3A_729 = vector.shape_cast %parallel_loop3A_728 : vector<1x16xf32> to vector<1x16xf32>
      %parallel_loop3A_730 = vector.shape_cast %parallel_loop3A_690 : vector<1x16xf32> to vector<1x16xf32>
      tpu.vector_store %parallel_loop3A_725[%parallel_loop3A_726, %parallel_loop3A_727], %parallel_loop3A_730 {add = true, strides = array<i32>} : memref<64x128xf32, #tpu.memory_space<vmem>>, vector<1x16xf32>,
      %parallel_loop3A_731 = arith.index_cast %parallel_loop3A_510 : i32 to index
      %parallel_loop3A_732 = arith.constant 80 : index
      %parallel_loop3A_733 = tpu.vector_load %arg5[%parallel_loop3A_731, %parallel_loop3A_732] {strides = array<i32>} : memref<64x128xf32, #tpu.memory_space<vmem>>, vector<1x16xf32>,
      %parallel_loop3A_734 = vector.shape_cast %parallel_loop3A_733 : vector<1x16xf32> to vector<1x16xf32>
      %parallel_loop3A_735 = arith.constant 0 : i32
      %parallel_loop3A_736 = arith.constant 0 : i32
      %parallel_loop3A_737 = arith.constant 0 : i32
      %parallel_loop3A_738 = tpu.memref_slice %arg6[%parallel_loop3A_735, %parallel_loop3A_736, %parallel_loop3A_737] : memref<4x64x128xf32, #tpu.memory_space<vmem>> -> memref<1x64x128xf32, #tpu.memory_space<vmem>>
      %parallel_loop3A_739 = tpu.memref_squeeze %parallel_loop3A_738 : memref<1x64x128xf32, #tpu.memory_space<vmem>> -> memref<64x128xf32, #tpu.memory_space<vmem>>
      %parallel_loop3A_740 = arith.index_cast %parallel_loop3A_510 : i32 to index
      %parallel_loop3A_741 = arith.constant 80 : index
      %parallel_loop3A_742 = tpu.vector_load %parallel_loop3A_739[%parallel_loop3A_740, %parallel_loop3A_741] {strides = array<i32>} : memref<64x128xf32, #tpu.memory_space<vmem>>, vector<1x16xf32>,
      %parallel_loop3A_743 = vector.shape_cast %parallel_loop3A_742 : vector<1x16xf32> to vector<1x16xf32>
      %parallel_loop3A_744 = vector.shape_cast %parallel_loop3A_734 : vector<1x16xf32> to vector<1x16xf32>
      tpu.vector_store %parallel_loop3A_739[%parallel_loop3A_740, %parallel_loop3A_741], %parallel_loop3A_744 {add = true, strides = array<i32>} : memref<64x128xf32, #tpu.memory_space<vmem>>, vector<1x16xf32>,
      %parallel_loop3A_745 = arith.constant 1 : i32
      %parallel_loop3A_746 = arith.constant 0 : i32
      %parallel_loop3A_747 = arith.constant 0 : i32
      %parallel_loop3A_748 = tpu.memref_slice %arg6[%parallel_loop3A_745, %parallel_loop3A_746, %parallel_loop3A_747] : memref<4x64x128xf32, #tpu.memory_space<vmem>> -> memref<1x64x128xf32, #tpu.memory_space<vmem>>
      %parallel_loop3A_749 = tpu.memref_squeeze %parallel_loop3A_748 : memref<1x64x128xf32, #tpu.memory_space<vmem>> -> memref<64x128xf32, #tpu.memory_space<vmem>>
      %parallel_loop3A_750 = arith.index_cast %parallel_loop3A_510 : i32 to index
      %parallel_loop3A_751 = arith.constant 80 : index
      %parallel_loop3A_752 = tpu.vector_load %parallel_loop3A_749[%parallel_loop3A_750, %parallel_loop3A_751] {strides = array<i32>} : memref<64x128xf32, #tpu.memory_space<vmem>>, vector<1x16xf32>,
      %parallel_loop3A_753 = vector.shape_cast %parallel_loop3A_752 : vector<1x16xf32> to vector<1x16xf32>
      %parallel_loop3A_754 = vector.shape_cast %parallel_loop3A_734 : vector<1x16xf32> to vector<1x16xf32>
      tpu.vector_store %parallel_loop3A_749[%parallel_loop3A_750, %parallel_loop3A_751], %parallel_loop3A_754 {add = true, strides = array<i32>} : memref<64x128xf32, #tpu.memory_space<vmem>>, vector<1x16xf32>,
      %parallel_loop3A_755 = arith.constant 2 : i32
      %parallel_loop3A_756 = arith.constant 0 : i32
      %parallel_loop3A_757 = arith.constant 0 : i32
      %parallel_loop3A_758 = tpu.memref_slice %arg6[%parallel_loop3A_755, %parallel_loop3A_756, %parallel_loop3A_757] : memref<4x64x128xf32, #tpu.memory_space<vmem>> -> memref<1x64x128xf32, #tpu.memory_space<vmem>>
      %parallel_loop3A_759 = tpu.memref_squeeze %parallel_loop3A_758 : memref<1x64x128xf32, #tpu.memory_space<vmem>> -> memref<64x128xf32, #tpu.memory_space<vmem>>
      %parallel_loop3A_760 = arith.index_cast %parallel_loop3A_510 : i32 to index
      %parallel_loop3A_761 = arith.constant 80 : index
      %parallel_loop3A_762 = tpu.vector_load %parallel_loop3A_759[%parallel_loop3A_760, %parallel_loop3A_761] {strides = array<i32>} : memref<64x128xf32, #tpu.memory_space<vmem>>, vector<1x16xf32>,
      %parallel_loop3A_763 = vector.shape_cast %parallel_loop3A_762 : vector<1x16xf32> to vector<1x16xf32>
      %parallel_loop3A_764 = vector.shape_cast %parallel_loop3A_734 : vector<1x16xf32> to vector<1x16xf32>
      tpu.vector_store %parallel_loop3A_759[%parallel_loop3A_760, %parallel_loop3A_761], %parallel_loop3A_764 {add = true, strides = array<i32>} : memref<64x128xf32, #tpu.memory_space<vmem>>, vector<1x16xf32>,
      %parallel_loop3A_765 = arith.constant 3 : i32
      %parallel_loop3A_766 = arith.constant 0 : i32
      %parallel_loop3A_767 = arith.constant 0 : i32
      %parallel_loop3A_768 = tpu.memref_slice %arg6[%parallel_loop3A_765, %parallel_loop3A_766, %parallel_loop3A_767] : memref<4x64x128xf32, #tpu.memory_space<vmem>> -> memref<1x64x128xf32, #tpu.memory_space<vmem>>
      %parallel_loop3A_769 = tpu.memref_squeeze %parallel_loop3A_768 : memref<1x64x128xf32, #tpu.memory_space<vmem>> -> memref<64x128xf32, #tpu.memory_space<vmem>>
      %parallel_loop3A_770 = arith.index_cast %parallel_loop3A_510 : i32 to index
      %parallel_loop3A_771 = arith.constant 80 : index
      %parallel_loop3A_772 = tpu.vector_load %parallel_loop3A_769[%parallel_loop3A_770, %parallel_loop3A_771] {strides = array<i32>} : memref<64x128xf32, #tpu.memory_space<vmem>>, vector<1x16xf32>,
      %parallel_loop3A_773 = vector.shape_cast %parallel_loop3A_772 : vector<1x16xf32> to vector<1x16xf32>
      %parallel_loop3A_774 = vector.shape_cast %parallel_loop3A_734 : vector<1x16xf32> to vector<1x16xf32>
      tpu.vector_store %parallel_loop3A_769[%parallel_loop3A_770, %parallel_loop3A_771], %parallel_loop3A_774 {add = true, strides = array<i32>} : memref<64x128xf32, #tpu.memory_space<vmem>>, vector<1x16xf32>,
      %parallel_loop3A_775 = arith.index_cast %parallel_loop3A_510 : i32 to index
      %parallel_loop3A_776 = arith.constant 96 : index
      %parallel_loop3A_777 = tpu.vector_load %arg5[%parallel_loop3A_775, %parallel_loop3A_776] {strides = array<i32>} : memref<64x128xf32, #tpu.memory_space<vmem>>, vector<1x16xf32>,
      %parallel_loop3A_778 = vector.shape_cast %parallel_loop3A_777 : vector<1x16xf32> to vector<1x16xf32>
      %parallel_loop3A_779 = arith.constant 0 : i32
      %parallel_loop3A_780 = arith.constant 0 : i32
      %parallel_loop3A_781 = arith.constant 0 : i32
      %parallel_loop3A_782 = tpu.memref_slice %arg6[%parallel_loop3A_779, %parallel_loop3A_780, %parallel_loop3A_781] : memref<4x64x128xf32, #tpu.memory_space<vmem>> -> memref<1x64x128xf32, #tpu.memory_space<vmem>>
      %parallel_loop3A_783 = tpu.memref_squeeze %parallel_loop3A_782 : memref<1x64x128xf32, #tpu.memory_space<vmem>> -> memref<64x128xf32, #tpu.memory_space<vmem>>
      %parallel_loop3A_784 = arith.index_cast %parallel_loop3A_510 : i32 to index
      %parallel_loop3A_785 = arith.constant 96 : index
      %parallel_loop3A_786 = tpu.vector_load %parallel_loop3A_783[%parallel_loop3A_784, %parallel_loop3A_785] {strides = array<i32>} : memref<64x128xf32, #tpu.memory_space<vmem>>, vector<1x16xf32>,
      %parallel_loop3A_787 = vector.shape_cast %parallel_loop3A_786 : vector<1x16xf32> to vector<1x16xf32>
      %parallel_loop3A_788 = vector.shape_cast %parallel_loop3A_778 : vector<1x16xf32> to vector<1x16xf32>
      tpu.vector_store %parallel_loop3A_783[%parallel_loop3A_784, %parallel_loop3A_785], %parallel_loop3A_788 {add = true, strides = array<i32>} : memref<64x128xf32, #tpu.memory_space<vmem>>, vector<1x16xf32>,
      %parallel_loop3A_789 = arith.constant 1 : i32
      %parallel_loop3A_790 = arith.constant 0 : i32
      %parallel_loop3A_791 = arith.constant 0 : i32
      %parallel_loop3A_792 = tpu.memref_slice %arg6[%parallel_loop3A_789, %parallel_loop3A_790, %parallel_loop3A_791] : memref<4x64x128xf32, #tpu.memory_space<vmem>> -> memref<1x64x128xf32, #tpu.memory_space<vmem>>
      %parallel_loop3A_793 = tpu.memref_squeeze %parallel_loop3A_792 : memref<1x64x128xf32, #tpu.memory_space<vmem>> -> memref<64x128xf32, #tpu.memory_space<vmem>>
      %parallel_loop3A_794 = arith.index_cast %parallel_loop3A_510 : i32 to index
      %parallel_loop3A_795 = arith.constant 96 : index
      %parallel_loop3A_796 = tpu.vector_load %parallel_loop3A_793[%parallel_loop3A_794, %parallel_loop3A_795] {strides = array<i32>} : memref<64x128xf32, #tpu.memory_space<vmem>>, vector<1x16xf32>,
      %parallel_loop3A_797 = vector.shape_cast %parallel_loop3A_796 : vector<1x16xf32> to vector<1x16xf32>
      %parallel_loop3A_798 = vector.shape_cast %parallel_loop3A_778 : vector<1x16xf32> to vector<1x16xf32>
      tpu.vector_store %parallel_loop3A_793[%parallel_loop3A_794, %parallel_loop3A_795], %parallel_loop3A_798 {add = true, strides = array<i32>} : memref<64x128xf32, #tpu.memory_space<vmem>>, vector<1x16xf32>,
      %parallel_loop3A_799 = arith.constant 2 : i32
      %parallel_loop3A_800 = arith.constant 0 : i32
      %parallel_loop3A_801 = arith.constant 0 : i32
      %parallel_loop3A_802 = tpu.memref_slice %arg6[%parallel_loop3A_799, %parallel_loop3A_800, %parallel_loop3A_801] : memref<4x64x128xf32, #tpu.memory_space<vmem>> -> memref<1x64x128xf32, #tpu.memory_space<vmem>>
      %parallel_loop3A_803 = tpu.memref_squeeze %parallel_loop3A_802 : memref<1x64x128xf32, #tpu.memory_space<vmem>> -> memref<64x128xf32, #tpu.memory_space<vmem>>
      %parallel_loop3A_804 = arith.index_cast %parallel_loop3A_510 : i32 to index
      %parallel_loop3A_805 = arith.constant 96 : index
      %parallel_loop3A_806 = tpu.vector_load %parallel_loop3A_803[%parallel_loop3A_804, %parallel_loop3A_805] {strides = array<i32>} : memref<64x128xf32, #tpu.memory_space<vmem>>, vector<1x16xf32>,
      %parallel_loop3A_807 = vector.shape_cast %parallel_loop3A_806 : vector<1x16xf32> to vector<1x16xf32>
      %parallel_loop3A_808 = vector.shape_cast %parallel_loop3A_778 : vector<1x16xf32> to vector<1x16xf32>
      tpu.vector_store %parallel_loop3A_803[%parallel_loop3A_804, %parallel_loop3A_805], %parallel_loop3A_808 {add = true, strides = array<i32>} : memref<64x128xf32, #tpu.memory_space<vmem>>, vector<1x16xf32>,
      %parallel_loop3A_809 = arith.constant 3 : i32
      %parallel_loop3A_810 = arith.constant 0 : i32
      %parallel_loop3A_811 = arith.constant 0 : i32
      %parallel_loop3A_812 = tpu.memref_slice %arg6[%parallel_loop3A_809, %parallel_loop3A_810, %parallel_loop3A_811] : memref<4x64x128xf32, #tpu.memory_space<vmem>> -> memref<1x64x128xf32, #tpu.memory_space<vmem>>
      %parallel_loop3A_813 = tpu.memref_squeeze %parallel_loop3A_812 : memref<1x64x128xf32, #tpu.memory_space<vmem>> -> memref<64x128xf32, #tpu.memory_space<vmem>>
      %parallel_loop3A_814 = arith.index_cast %parallel_loop3A_510 : i32 to index
      %parallel_loop3A_815 = arith.constant 96 : index
      %parallel_loop3A_816 = tpu.vector_load %parallel_loop3A_813[%parallel_loop3A_814, %parallel_loop3A_815] {strides = array<i32>} : memref<64x128xf32, #tpu.memory_space<vmem>>, vector<1x16xf32>,
      %parallel_loop3A_817 = vector.shape_cast %parallel_loop3A_816 : vector<1x16xf32> to vector<1x16xf32>
      %parallel_loop3A_818 = vector.shape_cast %parallel_loop3A_778 : vector<1x16xf32> to vector<1x16xf32>
      tpu.vector_store %parallel_loop3A_813[%parallel_loop3A_814, %parallel_loop3A_815], %parallel_loop3A_818 {add = true, strides = array<i32>} : memref<64x128xf32, #tpu.memory_space<vmem>>, vector<1x16xf32>,
      %parallel_loop3A_819 = arith.index_cast %parallel_loop3A_510 : i32 to index
      %parallel_loop3A_820 = arith.constant 112 : index
      %parallel_loop3A_821 = tpu.vector_load %arg5[%parallel_loop3A_819, %parallel_loop3A_820] {strides = array<i32>} : memref<64x128xf32, #tpu.memory_space<vmem>>, vector<1x16xf32>,
      %parallel_loop3A_822 = vector.shape_cast %parallel_loop3A_821 : vector<1x16xf32> to vector<1x16xf32>
      %parallel_loop3A_823 = arith.constant 0 : i32
      %parallel_loop3A_824 = arith.constant 0 : i32
      %parallel_loop3A_825 = arith.constant 0 : i32
      %parallel_loop3A_826 = tpu.memref_slice %arg6[%parallel_loop3A_823, %parallel_loop3A_824, %parallel_loop3A_825] : memref<4x64x128xf32, #tpu.memory_space<vmem>> -> memref<1x64x128xf32, #tpu.memory_space<vmem>>
      %parallel_loop3A_827 = tpu.memref_squeeze %parallel_loop3A_826 : memref<1x64x128xf32, #tpu.memory_space<vmem>> -> memref<64x128xf32, #tpu.memory_space<vmem>>
      %parallel_loop3A_828 = arith.index_cast %parallel_loop3A_510 : i32 to index
      %parallel_loop3A_829 = arith.constant 112 : index
      %parallel_loop3A_830 = tpu.vector_load %parallel_loop3A_827[%parallel_loop3A_828, %parallel_loop3A_829] {strides = array<i32>} : memref<64x128xf32, #tpu.memory_space<vmem>>, vector<1x16xf32>,
      %parallel_loop3A_831 = vector.shape_cast %parallel_loop3A_830 : vector<1x16xf32> to vector<1x16xf32>
      %parallel_loop3A_832 = vector.shape_cast %parallel_loop3A_822 : vector<1x16xf32> to vector<1x16xf32>
      tpu.vector_store %parallel_loop3A_827[%parallel_loop3A_828, %parallel_loop3A_829], %parallel_loop3A_832 {add = true, strides = array<i32>} : memref<64x128xf32, #tpu.memory_space<vmem>>, vector<1x16xf32>,
      %parallel_loop3A_833 = arith.constant 1 : i32
      %parallel_loop3A_834 = arith.constant 0 : i32
      %parallel_loop3A_835 = arith.constant 0 : i32
      %parallel_loop3A_836 = tpu.memref_slice %arg6[%parallel_loop3A_833, %parallel_loop3A_834, %parallel_loop3A_835] : memref<4x64x128xf32, #tpu.memory_space<vmem>> -> memref<1x64x128xf32, #tpu.memory_space<vmem>>
      %parallel_loop3A_837 = tpu.memref_squeeze %parallel_loop3A_836 : memref<1x64x128xf32, #tpu.memory_space<vmem>> -> memref<64x128xf32, #tpu.memory_space<vmem>>
      %parallel_loop3A_838 = arith.index_cast %parallel_loop3A_510 : i32 to index
      %parallel_loop3A_839 = arith.constant 112 : index
      %parallel_loop3A_840 = tpu.vector_load %parallel_loop3A_837[%parallel_loop3A_838, %parallel_loop3A_839] {strides = array<i32>} : memref<64x128xf32, #tpu.memory_space<vmem>>, vector<1x16xf32>,
      %parallel_loop3A_841 = vector.shape_cast %parallel_loop3A_840 : vector<1x16xf32> to vector<1x16xf32>
      %parallel_loop3A_842 = vector.shape_cast %parallel_loop3A_822 : vector<1x16xf32> to vector<1x16xf32>
      tpu.vector_store %parallel_loop3A_837[%parallel_loop3A_838, %parallel_loop3A_839], %parallel_loop3A_842 {add = true, strides = array<i32>} : memref<64x128xf32, #tpu.memory_space<vmem>>, vector<1x16xf32>,
      %parallel_loop3A_843 = arith.constant 2 : i32
      %parallel_loop3A_844 = arith.constant 0 : i32
      %parallel_loop3A_845 = arith.constant 0 : i32
      %parallel_loop3A_846 = tpu.memref_slice %arg6[%parallel_loop3A_843, %parallel_loop3A_844, %parallel_loop3A_845] : memref<4x64x128xf32, #tpu.memory_space<vmem>> -> memref<1x64x128xf32, #tpu.memory_space<vmem>>
      %parallel_loop3A_847 = tpu.memref_squeeze %parallel_loop3A_846 : memref<1x64x128xf32, #tpu.memory_space<vmem>> -> memref<64x128xf32, #tpu.memory_space<vmem>>
      %parallel_loop3A_848 = arith.index_cast %parallel_loop3A_510 : i32 to index
      %parallel_loop3A_849 = arith.constant 112 : index
      %parallel_loop3A_850 = tpu.vector_load %parallel_loop3A_847[%parallel_loop3A_848, %parallel_loop3A_849] {strides = array<i32>} : memref<64x128xf32, #tpu.memory_space<vmem>>, vector<1x16xf32>,
      %parallel_loop3A_851 = vector.shape_cast %parallel_loop3A_850 : vector<1x16xf32> to vector<1x16xf32>
      %parallel_loop3A_852 = vector.shape_cast %parallel_loop3A_822 : vector<1x16xf32> to vector<1x16xf32>
      tpu.vector_store %parallel_loop3A_847[%parallel_loop3A_848, %parallel_loop3A_849], %parallel_loop3A_852 {add = true, strides = array<i32>} : memref<64x128xf32, #tpu.memory_space<vmem>>, vector<1x16xf32>,
      %parallel_loop3A_853 = arith.constant 3 : i32
      %parallel_loop3A_854 = arith.constant 0 : i32
      %parallel_loop3A_855 = arith.constant 0 : i32
      %parallel_loop3A_856 = tpu.memref_slice %arg6[%parallel_loop3A_853, %parallel_loop3A_854, %parallel_loop3A_855] : memref<4x64x128xf32, #tpu.memory_space<vmem>> -> memref<1x64x128xf32, #tpu.memory_space<vmem>>
      %parallel_loop3A_857 = tpu.memref_squeeze %parallel_loop3A_856 : memref<1x64x128xf32, #tpu.memory_space<vmem>> -> memref<64x128xf32, #tpu.memory_space<vmem>>
      %parallel_loop3A_858 = arith.index_cast %parallel_loop3A_510 : i32 to index
      %parallel_loop3A_859 = arith.constant 112 : index
      %parallel_loop3A_860 = tpu.vector_load %parallel_loop3A_857[%parallel_loop3A_858, %parallel_loop3A_859] {strides = array<i32>} : memref<64x128xf32, #tpu.memory_space<vmem>>, vector<1x16xf32>,
      %parallel_loop3A_861 = vector.shape_cast %parallel_loop3A_860 : vector<1x16xf32> to vector<1x16xf32>
      %parallel_loop3A_862 = vector.shape_cast %parallel_loop3A_822 : vector<1x16xf32> to vector<1x16xf32>
      tpu.vector_store %parallel_loop3A_857[%parallel_loop3A_858, %parallel_loop3A_859], %parallel_loop3A_862 {add = true, strides = array<i32>} : memref<64x128xf32, #tpu.memory_space<vmem>>, vector<1x16xf32>,
    } {sc.loop_unroll_factor = 2 : i64, sc.parallel_access}
    %add3A_238 = arith.constant 32 : i32
    %add3A_239 = arith.addi %mul3A_2, %add3A_238 : i32
    %dma_start3A_240 = arith.constant 0 : i32
    %dma_start3A_241 = arith.constant 0 : i32
    %dma_start3A_242 = arith.constant 0 : i32
    %dma_start3A_243 = arith.constant 0 : i32
    %dma_start3A_244 = tpu.memref_slice %arg6[%dma_start3A_240, %dma_start3A_242, %dma_start3A_243] : memref<4x64x128xf32, #tpu.memory_space<vmem>> -> memref<1x64x128xf32, #tpu.memory_space<vmem>>
    %dma_start3A_245 = tpu.memref_squeeze %dma_start3A_244 : memref<1x64x128xf32, #tpu.memory_space<vmem>> -> memref<64x128xf32, #tpu.memory_space<vmem>>
    %dma_start3A_246 = arith.constant 32 : i32
    %dma_start3A_247 = arith.constant 0 : i32
    %dma_start3A_248 = tpu.memref_slice %dma_start3A_245[%dma_start3A_246, %dma_start3A_247] : memref<64x128xf32, #tpu.memory_space<vmem>> -> memref<32x128xf32, #tpu.memory_space<vmem>>
    %dma_start3A_249 = arith.constant 0 : i32
    %dma_start3A_250 = tpu.memref_slice %arg4[%dma_start3A_241, %add3A_239, %dma_start3A_249] : memref<4x2048x128xf32, #tpu.memory_space<hbm>> -> memref<1x32x128xf32, #tpu.memory_space<hbm>>
    %dma_start3A_251 = tpu.memref_squeeze %dma_start3A_250 : memref<1x32x128xf32, #tpu.memory_space<hbm>> -> memref<32x128xf32, #tpu.memory_space<hbm>>
    %dma_start3A_252 = arith.constant 0 : i32
    %dma_start3A_253 = tpu.memref_slice %arg4[%dma_start3A_241, %add3A_239, %dma_start3A_252] : memref<4x2048x128xf32, #tpu.memory_space<hbm>> -> memref<1x32x128xf32, #tpu.memory_space<hbm>>
    %dma_start3A_254 = tpu.memref_squeeze %dma_start3A_253 : memref<1x32x128xf32, #tpu.memory_space<hbm>> -> memref<32x128xf32, #tpu.memory_space<hbm>>
    %dma_start3A_255 = arith.constant 0 : i32
    %dma_start3A_256 = arith.constant 0 : i32
    %dma_start3A_257 = tpu.memref_slice %arg6[%dma_start3A_240, %dma_start3A_255, %dma_start3A_256] : memref<4x64x128xf32, #tpu.memory_space<vmem>> -> memref<1x64x128xf32, #tpu.memory_space<vmem>>
    %dma_start3A_258 = tpu.memref_squeeze %dma_start3A_257 : memref<1x64x128xf32, #tpu.memory_space<vmem>> -> memref<64x128xf32, #tpu.memory_space<vmem>>
    %dma_start3A_259 = arith.constant 32 : i32
    %dma_start3A_260 = arith.constant 0 : i32
    %dma_start3A_261 = tpu.memref_slice %dma_start3A_258[%dma_start3A_259, %dma_start3A_260] : memref<64x128xf32, #tpu.memory_space<vmem>> -> memref<32x128xf32, #tpu.memory_space<vmem>>
    tpu.enqueue_dma source(%dma_start3A_261 : memref<32x128xf32, #tpu.memory_space<vmem>>) target(%dma_start3A_254 : memref<32x128xf32, #tpu.memory_space<hbm>>) target_semaphore(%arg8 : memref<!tpu.dma_semaphore, #tpu.memory_space<semaphore_mem>>)
    %add3A_262 = arith.constant 32 : i32
    %add3A_263 = arith.addi %mul3A_2, %add3A_262 : i32
    %dma_start3A_264 = arith.constant 1 : i32
    %dma_start3A_265 = arith.constant 1 : i32
    %dma_start3A_266 = arith.constant 0 : i32
    %dma_start3A_267 = arith.constant 0 : i32
    %dma_start3A_268 = tpu.memref_slice %arg6[%dma_start3A_264, %dma_start3A_266, %dma_start3A_267] : memref<4x64x128xf32, #tpu.memory_space<vmem>> -> memref<1x64x128xf32, #tpu.memory_space<vmem>>
    %dma_start3A_269 = tpu.memref_squeeze %dma_start3A_268 : memref<1x64x128xf32, #tpu.memory_space<vmem>> -> memref<64x128xf32, #tpu.memory_space<vmem>>
    %dma_start3A_270 = arith.constant 32 : i32
    %dma_start3A_271 = arith.constant 0 : i32
    %dma_start3A_272 = tpu.memref_slice %dma_start3A_269[%dma_start3A_270, %dma_start3A_271] : memref<64x128xf32, #tpu.memory_space<vmem>> -> memref<32x128xf32, #tpu.memory_space<vmem>>
    %dma_start3A_273 = arith.constant 0 : i32
    %dma_start3A_274 = tpu.memref_slice %arg4[%dma_start3A_265, %add3A_263, %dma_start3A_273] : memref<4x2048x128xf32, #tpu.memory_space<hbm>> -> memref<1x32x128xf32, #tpu.memory_space<hbm>>
    %dma_start3A_275 = tpu.memref_squeeze %dma_start3A_274 : memref<1x32x128xf32, #tpu.memory_space<hbm>> -> memref<32x128xf32, #tpu.memory_space<hbm>>
    %dma_start3A_276 = arith.constant 0 : i32
    %dma_start3A_277 = tpu.memref_slice %arg4[%dma_start3A_265, %add3A_263, %dma_start3A_276] : memref<4x2048x128xf32, #tpu.memory_space<hbm>> -> memref<1x32x128xf32, #tpu.memory_space<hbm>>
    %dma_start3A_278 = tpu.memref_squeeze %dma_start3A_277 : memref<1x32x128xf32, #tpu.memory_space<hbm>> -> memref<32x128xf32, #tpu.memory_space<hbm>>
    %dma_start3A_279 = arith.constant 0 : i32
    %dma_start3A_280 = arith.constant 0 : i32
    %dma_start3A_281 = tpu.memref_slice %arg6[%dma_start3A_264, %dma_start3A_279, %dma_start3A_280] : memref<4x64x128xf32, #tpu.memory_space<vmem>> -> memref<1x64x128xf32, #tpu.memory_space<vmem>>
    %dma_start3A_282 = tpu.memref_squeeze %dma_start3A_281 : memref<1x64x128xf32, #tpu.memory_space<vmem>> -> memref<64x128xf32, #tpu.memory_space<vmem>>
    %dma_start3A_283 = arith.constant 32 : i32
    %dma_start3A_284 = arith.constant 0 : i32
    %dma_start3A_285 = tpu.memref_slice %dma_start3A_282[%dma_start3A_283, %dma_start3A_284] : memref<64x128xf32, #tpu.memory_space<vmem>> -> memref<32x128xf32, #tpu.memory_space<vmem>>
    tpu.enqueue_dma source(%dma_start3A_285 : memref<32x128xf32, #tpu.memory_space<vmem>>) target(%dma_start3A_278 : memref<32x128xf32, #tpu.memory_space<hbm>>) target_semaphore(%arg8 : memref<!tpu.dma_semaphore, #tpu.memory_space<semaphore_mem>>)
    %add3A_286 = arith.constant 32 : i32
    %add3A_287 = arith.addi %mul3A_2, %add3A_286 : i32
    %dma_start3A_288 = arith.constant 2 : i32
    %dma_start3A_289 = arith.constant 2 : i32
    %dma_start3A_290 = arith.constant 0 : i32
    %dma_start3A_291 = arith.constant 0 : i32
    %dma_start3A_292 = tpu.memref_slice %arg6[%dma_start3A_288, %dma_start3A_290, %dma_start3A_291] : memref<4x64x128xf32, #tpu.memory_space<vmem>> -> memref<1x64x128xf32, #tpu.memory_space<vmem>>
    %dma_start3A_293 = tpu.memref_squeeze %dma_start3A_292 : memref<1x64x128xf32, #tpu.memory_space<vmem>> -> memref<64x128xf32, #tpu.memory_space<vmem>>
    %dma_start3A_294 = arith.constant 32 : i32
    %dma_start3A_295 = arith.constant 0 : i32
    %dma_start3A_296 = tpu.memref_slice %dma_start3A_293[%dma_start3A_294, %dma_start3A_295] : memref<64x128xf32, #tpu.memory_space<vmem>> -> memref<32x128xf32, #tpu.memory_space<vmem>>
    %dma_start3A_297 = arith.constant 0 : i32
    %dma_start3A_298 = tpu.memref_slice %arg4[%dma_start3A_289, %add3A_287, %dma_start3A_297] : memref<4x2048x128xf32, #tpu.memory_space<hbm>> -> memref<1x32x128xf32, #tpu.memory_space<hbm>>
    %dma_start3A_299 = tpu.memref_squeeze %dma_start3A_298 : memref<1x32x128xf32, #tpu.memory_space<hbm>> -> memref<32x128xf32, #tpu.memory_space<hbm>>
    %dma_start3A_300 = arith.constant 0 : i32
    %dma_start3A_301 = tpu.memref_slice %arg4[%dma_start3A_289, %add3A_287, %dma_start3A_300] : memref<4x2048x128xf32, #tpu.memory_space<hbm>> -> memref<1x32x128xf32, #tpu.memory_space<hbm>>
    %dma_start3A_302 = tpu.memref_squeeze %dma_start3A_301 : memref<1x32x128xf32, #tpu.memory_space<hbm>> -> memref<32x128xf32, #tpu.memory_space<hbm>>
    %dma_start3A_303 = arith.constant 0 : i32
    %dma_start3A_304 = arith.constant 0 : i32
    %dma_start3A_305 = tpu.memref_slice %arg6[%dma_start3A_288, %dma_start3A_303, %dma_start3A_304] : memref<4x64x128xf32, #tpu.memory_space<vmem>> -> memref<1x64x128xf32, #tpu.memory_space<vmem>>
    %dma_start3A_306 = tpu.memref_squeeze %dma_start3A_305 : memref<1x64x128xf32, #tpu.memory_space<vmem>> -> memref<64x128xf32, #tpu.memory_space<vmem>>
    %dma_start3A_307 = arith.constant 32 : i32
    %dma_start3A_308 = arith.constant 0 : i32
    %dma_start3A_309 = tpu.memref_slice %dma_start3A_306[%dma_start3A_307, %dma_start3A_308] : memref<64x128xf32, #tpu.memory_space<vmem>> -> memref<32x128xf32, #tpu.memory_space<vmem>>
    tpu.enqueue_dma source(%dma_start3A_309 : memref<32x128xf32, #tpu.memory_space<vmem>>) target(%dma_start3A_302 : memref<32x128xf32, #tpu.memory_space<hbm>>) target_semaphore(%arg8 : memref<!tpu.dma_semaphore, #tpu.memory_space<semaphore_mem>>)
    %add3A_310 = arith.constant 32 : i32
    %add3A_311 = arith.addi %mul3A_2, %add3A_310 : i32
    %dma_start3A_312 = arith.constant 3 : i32
    %dma_start3A_313 = arith.constant 3 : i32
    %dma_start3A_314 = arith.constant 0 : i32
    %dma_start3A_315 = arith.constant 0 : i32
    %dma_start3A_316 = tpu.memref_slice %arg6[%dma_start3A_312, %dma_start3A_314, %dma_start3A_315] : memref<4x64x128xf32, #tpu.memory_space<vmem>> -> memref<1x64x128xf32, #tpu.memory_space<vmem>>
    %dma_start3A_317 = tpu.memref_squeeze %dma_start3A_316 : memref<1x64x128xf32, #tpu.memory_space<vmem>> -> memref<64x128xf32, #tpu.memory_space<vmem>>
    %dma_start3A_318 = arith.constant 32 : i32
    %dma_start3A_319 = arith.constant 0 : i32
    %dma_start3A_320 = tpu.memref_slice %dma_start3A_317[%dma_start3A_318, %dma_start3A_319] : memref<64x128xf32, #tpu.memory_space<vmem>> -> memref<32x128xf32, #tpu.memory_space<vmem>>
    %dma_start3A_321 = arith.constant 0 : i32
    %dma_start3A_322 = tpu.memref_slice %arg4[%dma_start3A_313, %add3A_311, %dma_start3A_321] : memref<4x2048x128xf32, #tpu.memory_space<hbm>> -> memref<1x32x128xf32, #tpu.memory_space<hbm>>
    %dma_start3A_323 = tpu.memref_squeeze %dma_start3A_322 : memref<1x32x128xf32, #tpu.memory_space<hbm>> -> memref<32x128xf32, #tpu.memory_space<hbm>>
    %dma_start3A_324 = arith.constant 0 : i32
    %dma_start3A_325 = tpu.memref_slice %arg4[%dma_start3A_313, %add3A_311, %dma_start3A_324] : memref<4x2048x128xf32, #tpu.memory_space<hbm>> -> memref<1x32x128xf32, #tpu.memory_space<hbm>>
    %dma_start3A_326 = tpu.memref_squeeze %dma_start3A_325 : memref<1x32x128xf32, #tpu.memory_space<hbm>> -> memref<32x128xf32, #tpu.memory_space<hbm>>
    %dma_start3A_327 = arith.constant 0 : i32
    %dma_start3A_328 = arith.constant 0 : i32
    %dma_start3A_329 = tpu.memref_slice %arg6[%dma_start3A_312, %dma_start3A_327, %dma_start3A_328] : memref<4x64x128xf32, #tpu.memory_space<vmem>> -> memref<1x64x128xf32, #tpu.memory_space<vmem>>
    %dma_start3A_330 = tpu.memref_squeeze %dma_start3A_329 : memref<1x64x128xf32, #tpu.memory_space<vmem>> -> memref<64x128xf32, #tpu.memory_space<vmem>>
    %dma_start3A_331 = arith.constant 32 : i32
    %dma_start3A_332 = arith.constant 0 : i32
    %dma_start3A_333 = tpu.memref_slice %dma_start3A_330[%dma_start3A_331, %dma_start3A_332] : memref<64x128xf32, #tpu.memory_space<vmem>> -> memref<32x128xf32, #tpu.memory_space<vmem>>
    tpu.enqueue_dma source(%dma_start3A_333 : memref<32x128xf32, #tpu.memory_space<vmem>>) target(%dma_start3A_326 : memref<32x128xf32, #tpu.memory_space<hbm>>) target_semaphore(%arg8 : memref<!tpu.dma_semaphore, #tpu.memory_space<semaphore_mem>>)
    %dma_wait3A_334 = arith.constant 0 : i32
    %dma_wait3A_335 = arith.constant 0 : i32
    %dma_wait3A_336 = arith.constant 0 : i32
    %dma_wait3A_337 = arith.constant 0 : i32
    %dma_wait3A_338 = tpu.memref_slice %arg6[%dma_wait3A_334, %dma_wait3A_336, %dma_wait3A_337] : memref<4x64x128xf32, #tpu.memory_space<vmem>> -> memref<1x64x128xf32, #tpu.memory_space<vmem>>
    %dma_wait3A_339 = tpu.memref_squeeze %dma_wait3A_338 : memref<1x64x128xf32, #tpu.memory_space<vmem>> -> memref<64x128xf32, #tpu.memory_space<vmem>>
    %dma_wait3A_340 = arith.constant 0 : i32
    %dma_wait3A_341 = arith.constant 0 : i32
    %dma_wait3A_342 = tpu.memref_slice %dma_wait3A_339[%dma_wait3A_340, %dma_wait3A_341] : memref<64x128xf32, #tpu.memory_space<vmem>> -> memref<32x128xf32, #tpu.memory_space<vmem>>
    %dma_wait3A_343 = arith.constant 0 : i32
    %dma_wait3A_344 = tpu.memref_slice %arg4[%dma_wait3A_335, %add3A_140, %dma_wait3A_343] : memref<4x2048x128xf32, #tpu.memory_space<hbm>> -> memref<1x32x128xf32, #tpu.memory_space<hbm>>
    %dma_wait3A_345 = tpu.memref_squeeze %dma_wait3A_344 : memref<1x32x128xf32, #tpu.memory_space<hbm>> -> memref<32x128xf32, #tpu.memory_space<hbm>>
    %dma_wait3A_346 = arith.constant 0 : i32
    %dma_wait3A_347 = tpu.memref_slice %arg4[%dma_wait3A_335, %add3A_140, %dma_wait3A_346] : memref<4x2048x128xf32, #tpu.memory_space<hbm>> -> memref<1x32x128xf32, #tpu.memory_space<hbm>>
    %dma_wait3A_348 = tpu.memref_squeeze %dma_wait3A_347 : memref<1x32x128xf32, #tpu.memory_space<hbm>> -> memref<32x128xf32, #tpu.memory_space<hbm>>
    %dma_wait3A_349 = arith.constant 0 : i32
    %dma_wait3A_350 = arith.constant 0 : i32
    %dma_wait3A_351 = tpu.memref_slice %arg6[%dma_wait3A_334, %dma_wait3A_349, %dma_wait3A_350] : memref<4x64x128xf32, #tpu.memory_space<vmem>> -> memref<1x64x128xf32, #tpu.memory_space<vmem>>
    %dma_wait3A_352 = tpu.memref_squeeze %dma_wait3A_351 : memref<1x64x128xf32, #tpu.memory_space<vmem>> -> memref<64x128xf32, #tpu.memory_space<vmem>>
    %dma_wait3A_353 = arith.constant 0 : i32
    %dma_wait3A_354 = arith.constant 0 : i32
    %dma_wait3A_355 = tpu.memref_slice %dma_wait3A_352[%dma_wait3A_353, %dma_wait3A_354] : memref<64x128xf32, #tpu.memory_space<vmem>> -> memref<32x128xf32, #tpu.memory_space<vmem>>
    tpu.wait_dma2 semaphore(%arg8 : memref<!tpu.dma_semaphore, #tpu.memory_space<semaphore_mem>>) src(%dma_wait3A_355 : memref<32x128xf32, #tpu.memory_space<vmem>>) dst(%dma_wait3A_348 : memref<32x128xf32, #tpu.memory_space<hbm>>)
    %dma_wait3A_356 = arith.constant 1 : i32
    %dma_wait3A_357 = arith.constant 1 : i32
    %dma_wait3A_358 = arith.constant 0 : i32
    %dma_wait3A_359 = arith.constant 0 : i32
    %dma_wait3A_360 = tpu.memref_slice %arg6[%dma_wait3A_356, %dma_wait3A_358, %dma_wait3A_359] : memref<4x64x128xf32, #tpu.memory_space<vmem>> -> memref<1x64x128xf32, #tpu.memory_space<vmem>>
    %dma_wait3A_361 = tpu.memref_squeeze %dma_wait3A_360 : memref<1x64x128xf32, #tpu.memory_space<vmem>> -> memref<64x128xf32, #tpu.memory_space<vmem>>
    %dma_wait3A_362 = arith.constant 0 : i32
    %dma_wait3A_363 = arith.constant 0 : i32
    %dma_wait3A_364 = tpu.memref_slice %dma_wait3A_361[%dma_wait3A_362, %dma_wait3A_363] : memref<64x128xf32, #tpu.memory_space<vmem>> -> memref<32x128xf32, #tpu.memory_space<vmem>>
    %dma_wait3A_365 = arith.constant 0 : i32
    %dma_wait3A_366 = tpu.memref_slice %arg4[%dma_wait3A_357, %add3A_164, %dma_wait3A_365] : memref<4x2048x128xf32, #tpu.memory_space<hbm>> -> memref<1x32x128xf32, #tpu.memory_space<hbm>>
    %dma_wait3A_367 = tpu.memref_squeeze %dma_wait3A_366 : memref<1x32x128xf32, #tpu.memory_space<hbm>> -> memref<32x128xf32, #tpu.memory_space<hbm>>
    %dma_wait3A_368 = arith.constant 0 : i32
    %dma_wait3A_369 = tpu.memref_slice %arg4[%dma_wait3A_357, %add3A_164, %dma_wait3A_368] : memref<4x2048x128xf32, #tpu.memory_space<hbm>> -> memref<1x32x128xf32, #tpu.memory_space<hbm>>
    %dma_wait3A_370 = tpu.memref_squeeze %dma_wait3A_369 : memref<1x32x128xf32, #tpu.memory_space<hbm>> -> memref<32x128xf32, #tpu.memory_space<hbm>>
    %dma_wait3A_371 = arith.constant 0 : i32
    %dma_wait3A_372 = arith.constant 0 : i32
    %dma_wait3A_373 = tpu.memref_slice %arg6[%dma_wait3A_356, %dma_wait3A_371, %dma_wait3A_372] : memref<4x64x128xf32, #tpu.memory_space<vmem>> -> memref<1x64x128xf32, #tpu.memory_space<vmem>>
    %dma_wait3A_374 = tpu.memref_squeeze %dma_wait3A_373 : memref<1x64x128xf32, #tpu.memory_space<vmem>> -> memref<64x128xf32, #tpu.memory_space<vmem>>
    %dma_wait3A_375 = arith.constant 0 : i32
    %dma_wait3A_376 = arith.constant 0 : i32
    %dma_wait3A_377 = tpu.memref_slice %dma_wait3A_374[%dma_wait3A_375, %dma_wait3A_376] : memref<64x128xf32, #tpu.memory_space<vmem>> -> memref<32x128xf32, #tpu.memory_space<vmem>>
    tpu.wait_dma2 semaphore(%arg8 : memref<!tpu.dma_semaphore, #tpu.memory_space<semaphore_mem>>) src(%dma_wait3A_377 : memref<32x128xf32, #tpu.memory_space<vmem>>) dst(%dma_wait3A_370 : memref<32x128xf32, #tpu.memory_space<hbm>>)
    %dma_wait3A_378 = arith.constant 2 : i32
    %dma_wait3A_379 = arith.constant 2 : i32
    %dma_wait3A_380 = arith.constant 0 : i32
    %dma_wait3A_381 = arith.constant 0 : i32
    %dma_wait3A_382 = tpu.memref_slice %arg6[%dma_wait3A_378, %dma_wait3A_380, %dma_wait3A_381] : memref<4x64x128xf32, #tpu.memory_space<vmem>> -> memref<1x64x128xf32, #tpu.memory_space<vmem>>
    %dma_wait3A_383 = tpu.memref_squeeze %dma_wait3A_382 : memref<1x64x128xf32, #tpu.memory_space<vmem>> -> memref<64x128xf32, #tpu.memory_space<vmem>>
    %dma_wait3A_384 = arith.constant 0 : i32
    %dma_wait3A_385 = arith.constant 0 : i32
    %dma_wait3A_386 = tpu.memref_slice %dma_wait3A_383[%dma_wait3A_384, %dma_wait3A_385] : memref<64x128xf32, #tpu.memory_space<vmem>> -> memref<32x128xf32, #tpu.memory_space<vmem>>
    %dma_wait3A_387 = arith.constant 0 : i32
    %dma_wait3A_388 = tpu.memref_slice %arg4[%dma_wait3A_379, %add3A_188, %dma_wait3A_387] : memref<4x2048x128xf32, #tpu.memory_space<hbm>> -> memref<1x32x128xf32, #tpu.memory_space<hbm>>
    %dma_wait3A_389 = tpu.memref_squeeze %dma_wait3A_388 : memref<1x32x128xf32, #tpu.memory_space<hbm>> -> memref<32x128xf32, #tpu.memory_space<hbm>>
    %dma_wait3A_390 = arith.constant 0 : i32
    %dma_wait3A_391 = tpu.memref_slice %arg4[%dma_wait3A_379, %add3A_188, %dma_wait3A_390] : memref<4x2048x128xf32, #tpu.memory_space<hbm>> -> memref<1x32x128xf32, #tpu.memory_space<hbm>>
    %dma_wait3A_392 = tpu.memref_squeeze %dma_wait3A_391 : memref<1x32x128xf32, #tpu.memory_space<hbm>> -> memref<32x128xf32, #tpu.memory_space<hbm>>
    %dma_wait3A_393 = arith.constant 0 : i32
    %dma_wait3A_394 = arith.constant 0 : i32
    %dma_wait3A_395 = tpu.memref_slice %arg6[%dma_wait3A_378, %dma_wait3A_393, %dma_wait3A_394] : memref<4x64x128xf32, #tpu.memory_space<vmem>> -> memref<1x64x128xf32, #tpu.memory_space<vmem>>
    %dma_wait3A_396 = tpu.memref_squeeze %dma_wait3A_395 : memref<1x64x128xf32, #tpu.memory_space<vmem>> -> memref<64x128xf32, #tpu.memory_space<vmem>>
    %dma_wait3A_397 = arith.constant 0 : i32
    %dma_wait3A_398 = arith.constant 0 : i32
    %dma_wait3A_399 = tpu.memref_slice %dma_wait3A_396[%dma_wait3A_397, %dma_wait3A_398] : memref<64x128xf32, #tpu.memory_space<vmem>> -> memref<32x128xf32, #tpu.memory_space<vmem>>
    tpu.wait_dma2 semaphore(%arg8 : memref<!tpu.dma_semaphore, #tpu.memory_space<semaphore_mem>>) src(%dma_wait3A_399 : memref<32x128xf32, #tpu.memory_space<vmem>>) dst(%dma_wait3A_392 : memref<32x128xf32, #tpu.memory_space<hbm>>)
    %dma_wait3A_400 = arith.constant 3 : i32
    %dma_wait3A_401 = arith.constant 3 : i32
    %dma_wait3A_402 = arith.constant 0 : i32
    %dma_wait3A_403 = arith.constant 0 : i32
    %dma_wait3A_404 = tpu.memref_slice %arg6[%dma_wait3A_400, %dma_wait3A_402, %dma_wait3A_403] : memref<4x64x128xf32, #tpu.memory_space<vmem>> -> memref<1x64x128xf32, #tpu.memory_space<vmem>>
    %dma_wait3A_405 = tpu.memref_squeeze %dma_wait3A_404 : memref<1x64x128xf32, #tpu.memory_space<vmem>> -> memref<64x128xf32, #tpu.memory_space<vmem>>
    %dma_wait3A_406 = arith.constant 0 : i32
    %dma_wait3A_407 = arith.constant 0 : i32
    %dma_wait3A_408 = tpu.memref_slice %dma_wait3A_405[%dma_wait3A_406, %dma_wait3A_407] : memref<64x128xf32, #tpu.memory_space<vmem>> -> memref<32x128xf32, #tpu.memory_space<vmem>>
    %dma_wait3A_409 = arith.constant 0 : i32
    %dma_wait3A_410 = tpu.memref_slice %arg4[%dma_wait3A_401, %add3A_212, %dma_wait3A_409] : memref<4x2048x128xf32, #tpu.memory_space<hbm>> -> memref<1x32x128xf32, #tpu.memory_space<hbm>>
    %dma_wait3A_411 = tpu.memref_squeeze %dma_wait3A_410 : memref<1x32x128xf32, #tpu.memory_space<hbm>> -> memref<32x128xf32, #tpu.memory_space<hbm>>
    %dma_wait3A_412 = arith.constant 0 : i32
    %dma_wait3A_413 = tpu.memref_slice %arg4[%dma_wait3A_401, %add3A_212, %dma_wait3A_412] : memref<4x2048x128xf32, #tpu.memory_space<hbm>> -> memref<1x32x128xf32, #tpu.memory_space<hbm>>
    %dma_wait3A_414 = tpu.memref_squeeze %dma_wait3A_413 : memref<1x32x128xf32, #tpu.memory_space<hbm>> -> memref<32x128xf32, #tpu.memory_space<hbm>>
    %dma_wait3A_415 = arith.constant 0 : i32
    %dma_wait3A_416 = arith.constant 0 : i32
    %dma_wait3A_417 = tpu.memref_slice %arg6[%dma_wait3A_400, %dma_wait3A_415, %dma_wait3A_416] : memref<4x64x128xf32, #tpu.memory_space<vmem>> -> memref<1x64x128xf32, #tpu.memory_space<vmem>>
    %dma_wait3A_418 = tpu.memref_squeeze %dma_wait3A_417 : memref<1x64x128xf32, #tpu.memory_space<vmem>> -> memref<64x128xf32, #tpu.memory_space<vmem>>
    %dma_wait3A_419 = arith.constant 0 : i32
    %dma_wait3A_420 = arith.constant 0 : i32
    %dma_wait3A_421 = tpu.memref_slice %dma_wait3A_418[%dma_wait3A_419, %dma_wait3A_420] : memref<64x128xf32, #tpu.memory_space<vmem>> -> memref<32x128xf32, #tpu.memory_space<vmem>>
    tpu.wait_dma2 semaphore(%arg8 : memref<!tpu.dma_semaphore, #tpu.memory_space<semaphore_mem>>) src(%dma_wait3A_421 : memref<32x128xf32, #tpu.memory_space<vmem>>) dst(%dma_wait3A_414 : memref<32x128xf32, #tpu.memory_space<hbm>>)
    %dma_wait3A_422 = arith.constant 0 : i32
    %dma_wait3A_423 = arith.constant 0 : i32
    %dma_wait3A_424 = arith.constant 0 : i32
    %dma_wait3A_425 = arith.constant 0 : i32
    %dma_wait3A_426 = tpu.memref_slice %arg6[%dma_wait3A_422, %dma_wait3A_424, %dma_wait3A_425] : memref<4x64x128xf32, #tpu.memory_space<vmem>> -> memref<1x64x128xf32, #tpu.memory_space<vmem>>
    %dma_wait3A_427 = tpu.memref_squeeze %dma_wait3A_426 : memref<1x64x128xf32, #tpu.memory_space<vmem>> -> memref<64x128xf32, #tpu.memory_space<vmem>>
    %dma_wait3A_428 = arith.constant 32 : i32
    %dma_wait3A_429 = arith.constant 0 : i32
    %dma_wait3A_430 = tpu.memref_slice %dma_wait3A_427[%dma_wait3A_428, %dma_wait3A_429] : memref<64x128xf32, #tpu.memory_space<vmem>> -> memref<32x128xf32, #tpu.memory_space<vmem>>
    %dma_wait3A_431 = arith.constant 0 : i32
    %dma_wait3A_432 = tpu.memref_slice %arg4[%dma_wait3A_423, %add3A_239, %dma_wait3A_431] : memref<4x2048x128xf32, #tpu.memory_space<hbm>> -> memref<1x32x128xf32, #tpu.memory_space<hbm>>
    %dma_wait3A_433 = tpu.memref_squeeze %dma_wait3A_432 : memref<1x32x128xf32, #tpu.memory_space<hbm>> -> memref<32x128xf32, #tpu.memory_space<hbm>>
    %dma_wait3A_434 = arith.constant 0 : i32
    %dma_wait3A_435 = tpu.memref_slice %arg4[%dma_wait3A_423, %add3A_239, %dma_wait3A_434] : memref<4x2048x128xf32, #tpu.memory_space<hbm>> -> memref<1x32x128xf32, #tpu.memory_space<hbm>>
    %dma_wait3A_436 = tpu.memref_squeeze %dma_wait3A_435 : memref<1x32x128xf32, #tpu.memory_space<hbm>> -> memref<32x128xf32, #tpu.memory_space<hbm>>
    %dma_wait3A_437 = arith.constant 0 : i32
    %dma_wait3A_438 = arith.constant 0 : i32
    %dma_wait3A_439 = tpu.memref_slice %arg6[%dma_wait3A_422, %dma_wait3A_437, %dma_wait3A_438] : memref<4x64x128xf32, #tpu.memory_space<vmem>> -> memref<1x64x128xf32, #tpu.memory_space<vmem>>
    %dma_wait3A_440 = tpu.memref_squeeze %dma_wait3A_439 : memref<1x64x128xf32, #tpu.memory_space<vmem>> -> memref<64x128xf32, #tpu.memory_space<vmem>>
    %dma_wait3A_441 = arith.constant 32 : i32
    %dma_wait3A_442 = arith.constant 0 : i32
    %dma_wait3A_443 = tpu.memref_slice %dma_wait3A_440[%dma_wait3A_441, %dma_wait3A_442] : memref<64x128xf32, #tpu.memory_space<vmem>> -> memref<32x128xf32, #tpu.memory_space<vmem>>
    tpu.wait_dma2 semaphore(%arg8 : memref<!tpu.dma_semaphore, #tpu.memory_space<semaphore_mem>>) src(%dma_wait3A_443 : memref<32x128xf32, #tpu.memory_space<vmem>>) dst(%dma_wait3A_436 : memref<32x128xf32, #tpu.memory_space<hbm>>)
    %dma_wait3A_444 = arith.constant 1 : i32
    %dma_wait3A_445 = arith.constant 1 : i32
    %dma_wait3A_446 = arith.constant 0 : i32
    %dma_wait3A_447 = arith.constant 0 : i32
    %dma_wait3A_448 = tpu.memref_slice %arg6[%dma_wait3A_444, %dma_wait3A_446, %dma_wait3A_447] : memref<4x64x128xf32, #tpu.memory_space<vmem>> -> memref<1x64x128xf32, #tpu.memory_space<vmem>>
    %dma_wait3A_449 = tpu.memref_squeeze %dma_wait3A_448 : memref<1x64x128xf32, #tpu.memory_space<vmem>> -> memref<64x128xf32, #tpu.memory_space<vmem>>
    %dma_wait3A_450 = arith.constant 32 : i32
    %dma_wait3A_451 = arith.constant 0 : i32
    %dma_wait3A_452 = tpu.memref_slice %dma_wait3A_449[%dma_wait3A_450, %dma_wait3A_451] : memref<64x128xf32, #tpu.memory_space<vmem>> -> memref<32x128xf32, #tpu.memory_space<vmem>>
    %dma_wait3A_453 = arith.constant 0 : i32
    %dma_wait3A_454 = tpu.memref_slice %arg4[%dma_wait3A_445, %add3A_263, %dma_wait3A_453] : memref<4x2048x128xf32, #tpu.memory_space<hbm>> -> memref<1x32x128xf32, #tpu.memory_space<hbm>>
    %dma_wait3A_455 = tpu.memref_squeeze %dma_wait3A_454 : memref<1x32x128xf32, #tpu.memory_space<hbm>> -> memref<32x128xf32, #tpu.memory_space<hbm>>
    %dma_wait3A_456 = arith.constant 0 : i32
    %dma_wait3A_457 = tpu.memref_slice %arg4[%dma_wait3A_445, %add3A_263, %dma_wait3A_456] : memref<4x2048x128xf32, #tpu.memory_space<hbm>> -> memref<1x32x128xf32, #tpu.memory_space<hbm>>
    %dma_wait3A_458 = tpu.memref_squeeze %dma_wait3A_457 : memref<1x32x128xf32, #tpu.memory_space<hbm>> -> memref<32x128xf32, #tpu.memory_space<hbm>>
    %dma_wait3A_459 = arith.constant 0 : i32
    %dma_wait3A_460 = arith.constant 0 : i32
    %dma_wait3A_461 = tpu.memref_slice %arg6[%dma_wait3A_444, %dma_wait3A_459, %dma_wait3A_460] : memref<4x64x128xf32, #tpu.memory_space<vmem>> -> memref<1x64x128xf32, #tpu.memory_space<vmem>>
    %dma_wait3A_462 = tpu.memref_squeeze %dma_wait3A_461 : memref<1x64x128xf32, #tpu.memory_space<vmem>> -> memref<64x128xf32, #tpu.memory_space<vmem>>
    %dma_wait3A_463 = arith.constant 32 : i32
    %dma_wait3A_464 = arith.constant 0 : i32
    %dma_wait3A_465 = tpu.memref_slice %dma_wait3A_462[%dma_wait3A_463, %dma_wait3A_464] : memref<64x128xf32, #tpu.memory_space<vmem>> -> memref<32x128xf32, #tpu.memory_space<vmem>>
    tpu.wait_dma2 semaphore(%arg8 : memref<!tpu.dma_semaphore, #tpu.memory_space<semaphore_mem>>) src(%dma_wait3A_465 : memref<32x128xf32, #tpu.memory_space<vmem>>) dst(%dma_wait3A_458 : memref<32x128xf32, #tpu.memory_space<hbm>>)
    %dma_wait3A_466 = arith.constant 2 : i32
    %dma_wait3A_467 = arith.constant 2 : i32
    %dma_wait3A_468 = arith.constant 0 : i32
    %dma_wait3A_469 = arith.constant 0 : i32
    %dma_wait3A_470 = tpu.memref_slice %arg6[%dma_wait3A_466, %dma_wait3A_468, %dma_wait3A_469] : memref<4x64x128xf32, #tpu.memory_space<vmem>> -> memref<1x64x128xf32, #tpu.memory_space<vmem>>
    %dma_wait3A_471 = tpu.memref_squeeze %dma_wait3A_470 : memref<1x64x128xf32, #tpu.memory_space<vmem>> -> memref<64x128xf32, #tpu.memory_space<vmem>>
    %dma_wait3A_472 = arith.constant 32 : i32
    %dma_wait3A_473 = arith.constant 0 : i32
    %dma_wait3A_474 = tpu.memref_slice %dma_wait3A_471[%dma_wait3A_472, %dma_wait3A_473] : memref<64x128xf32, #tpu.memory_space<vmem>> -> memref<32x128xf32, #tpu.memory_space<vmem>>
    %dma_wait3A_475 = arith.constant 0 : i32
    %dma_wait3A_476 = tpu.memref_slice %arg4[%dma_wait3A_467, %add3A_287, %dma_wait3A_475] : memref<4x2048x128xf32, #tpu.memory_space<hbm>> -> memref<1x32x128xf32, #tpu.memory_space<hbm>>
    %dma_wait3A_477 = tpu.memref_squeeze %dma_wait3A_476 : memref<1x32x128xf32, #tpu.memory_space<hbm>> -> memref<32x128xf32, #tpu.memory_space<hbm>>
    %dma_wait3A_478 = arith.constant 0 : i32
    %dma_wait3A_479 = tpu.memref_slice %arg4[%dma_wait3A_467, %add3A_287, %dma_wait3A_478] : memref<4x2048x128xf32, #tpu.memory_space<hbm>> -> memref<1x32x128xf32, #tpu.memory_space<hbm>>
    %dma_wait3A_480 = tpu.memref_squeeze %dma_wait3A_479 : memref<1x32x128xf32, #tpu.memory_space<hbm>> -> memref<32x128xf32, #tpu.memory_space<hbm>>
    %dma_wait3A_481 = arith.constant 0 : i32
    %dma_wait3A_482 = arith.constant 0 : i32
    %dma_wait3A_483 = tpu.memref_slice %arg6[%dma_wait3A_466, %dma_wait3A_481, %dma_wait3A_482] : memref<4x64x128xf32, #tpu.memory_space<vmem>> -> memref<1x64x128xf32, #tpu.memory_space<vmem>>
    %dma_wait3A_484 = tpu.memref_squeeze %dma_wait3A_483 : memref<1x64x128xf32, #tpu.memory_space<vmem>> -> memref<64x128xf32, #tpu.memory_space<vmem>>
    %dma_wait3A_485 = arith.constant 32 : i32
    %dma_wait3A_486 = arith.constant 0 : i32
    %dma_wait3A_487 = tpu.memref_slice %dma_wait3A_484[%dma_wait3A_485, %dma_wait3A_486] : memref<64x128xf32, #tpu.memory_space<vmem>> -> memref<32x128xf32, #tpu.memory_space<vmem>>
    tpu.wait_dma2 semaphore(%arg8 : memref<!tpu.dma_semaphore, #tpu.memory_space<semaphore_mem>>) src(%dma_wait3A_487 : memref<32x128xf32, #tpu.memory_space<vmem>>) dst(%dma_wait3A_480 : memref<32x128xf32, #tpu.memory_space<hbm>>)
    %dma_wait3A_488 = arith.constant 3 : i32
    %dma_wait3A_489 = arith.constant 3 : i32
    %dma_wait3A_490 = arith.constant 0 : i32
    %dma_wait3A_491 = arith.constant 0 : i32
    %dma_wait3A_492 = tpu.memref_slice %arg6[%dma_wait3A_488, %dma_wait3A_490, %dma_wait3A_491] : memref<4x64x128xf32, #tpu.memory_space<vmem>> -> memref<1x64x128xf32, #tpu.memory_space<vmem>>
    %dma_wait3A_493 = tpu.memref_squeeze %dma_wait3A_492 : memref<1x64x128xf32, #tpu.memory_space<vmem>> -> memref<64x128xf32, #tpu.memory_space<vmem>>
    %dma_wait3A_494 = arith.constant 32 : i32
    %dma_wait3A_495 = arith.constant 0 : i32
    %dma_wait3A_496 = tpu.memref_slice %dma_wait3A_493[%dma_wait3A_494, %dma_wait3A_495] : memref<64x128xf32, #tpu.memory_space<vmem>> -> memref<32x128xf32, #tpu.memory_space<vmem>>
    %dma_wait3A_497 = arith.constant 0 : i32
    %dma_wait3A_498 = tpu.memref_slice %arg4[%dma_wait3A_489, %add3A_311, %dma_wait3A_497] : memref<4x2048x128xf32, #tpu.memory_space<hbm>> -> memref<1x32x128xf32, #tpu.memory_space<hbm>>
    %dma_wait3A_499 = tpu.memref_squeeze %dma_wait3A_498 : memref<1x32x128xf32, #tpu.memory_space<hbm>> -> memref<32x128xf32, #tpu.memory_space<hbm>>
    %dma_wait3A_500 = arith.constant 0 : i32
    %dma_wait3A_501 = tpu.memref_slice %arg4[%dma_wait3A_489, %add3A_311, %dma_wait3A_500] : memref<4x2048x128xf32, #tpu.memory_space<hbm>> -> memref<1x32x128xf32, #tpu.memory_space<hbm>>
    %dma_wait3A_502 = tpu.memref_squeeze %dma_wait3A_501 : memref<1x32x128xf32, #tpu.memory_space<hbm>> -> memref<32x128xf32, #tpu.memory_space<hbm>>
    %dma_wait3A_503 = arith.constant 0 : i32
    %dma_wait3A_504 = arith.constant 0 : i32
    %dma_wait3A_505 = tpu.memref_slice %arg6[%dma_wait3A_488, %dma_wait3A_503, %dma_wait3A_504] : memref<4x64x128xf32, #tpu.memory_space<vmem>> -> memref<1x64x128xf32, #tpu.memory_space<vmem>>
    %dma_wait3A_506 = tpu.memref_squeeze %dma_wait3A_505 : memref<1x64x128xf32, #tpu.memory_space<vmem>> -> memref<64x128xf32, #tpu.memory_space<vmem>>
    %dma_wait3A_507 = arith.constant 32 : i32
    %dma_wait3A_508 = arith.constant 0 : i32
    %dma_wait3A_509 = tpu.memref_slice %dma_wait3A_506[%dma_wait3A_507, %dma_wait3A_508] : memref<64x128xf32, #tpu.memory_space<vmem>> -> memref<32x128xf32, #tpu.memory_space<vmem>>
    tpu.wait_dma2 semaphore(%arg8 : memref<!tpu.dma_semaphore, #tpu.memory_space<semaphore_mem>>) src(%dma_wait3A_509 : memref<32x128xf32, #tpu.memory_space<vmem>>) dst(%dma_wait3A_502 : memref<32x128xf32, #tpu.memory_space<hbm>>)
    return
  }
}

</mosaic_0001>

<sc_bundles>
// kernel: _sc_add.3.cloned.1.call-start
scs
__scs_entry_jumppad:
0x0: {  	(pc) =	sbr.rel $0x88, $3  }
0x1: {  	(tag) =	ssettag $0x0;
	lr =	simm.s32 $0x1  }
0x2: {  	[smem:$0x3F9F] =	sst lr;
	_ =	strace $0xD0000000  }
0x3: {  	_ = 	snop  }
0x4: {  	_ = 	snop  }
0x5: {  	_ = 	snop  }
0x6: {  	_ = 	snop  }
0x7: {  	_ = 	snop  }
__scs_overlays_trampoline_lowered:
0x8: {  	[smem:$0x3FAE] =	sst s0  }
0x9: {  	[smem:$0x3FAF] =	sst s1  }
0xa: {  	[smem:$0x3FB0] =	sst s2  }
0xb: {  	[smem:$0x3FB1] =	sst s3  }
0xc: {  	[smem:$0x3FB2] =	sst s4  }
0xd: {  	[smem:$0x3FB3] =	sst s5  }
0xe: {  	[smem:$0x3FB4] =	sst s6  }
0xf: {  	[smem:$0x3FB5] =	sst s7  }
0x10: {  	[smem:$0x3FB6] =	sst s8  }
0x11: {  	[smem:$0x3FB7] =	sst s9;
	s0 =	simm.s32 @!p0 $0x0  }
0x12: {  	s1 =	sld [smem:$0x3F9D];
	s0 =	simm.s32 @p0 $0x1  }
0x13: {  	[smem:$0x3FB8] =	sst s0;
	s0 =	simm.s32 @!p1 $0x0  }
0x14: {  	s2 =	sld [smem:$0x3F9C];
	s0 =	simm.s32 @p1 $0x1  }
0x15: {  	[smem:$0x3FB9] =	sst s0;
	s0 =	simm.s32 @!p2 $0x0  }
0x16: {  	s3 =	sld [smem:$0x3FDB];
	s0 =	simm.s32 @p2 $0x1  }
0x17: {  	s4 =	simm.s32 $0x1BF5;
	[smem:$0x3FBB] =	sst s0  }
0x18: {  	s0 =	sld [smem:$0x3F9E];
	_ =	swait.ge [sflag:s4], $0x0  }
0x19: {  	s7 =	sld [smem:$0x3F9F]  }
0x1a: {  	s8 =	sadd.s32 $0xFFFFE003, lr  }
0x1b: {  	s9 =	sadd.s32 $0xFFFFFEF7, lr;
	s5 =	simm.s32 $0xFFFFFFFF;
	p2 =	slt.u32 s8, $0xFFFFF086  }
0x1c: {  	p1 =	slt.u32 s9, $0xF7A;
	s5 =	simm.s32 @!p2 $0x0  }
0x1d: {  	s5 =	simm.s32 @p1 $0x1;
	p0 =	seq.s32 s7, s2  }
0x1e: {  	s7 =	smul.u32 @!p0 $0xF7A, s2;
	p2 =	seq.s32 @!p0 s5, $0x0  }
0x1f: {  	s9 =	smul.u32 $0xF7A, s1;
	s8 =	simm.s32 @!p0 $0x1BF5;
	p2 =	por !p2, p0  }
0x20: {  	[sflag:s8] =	ssyncset.s32 @!p0 $0xFFFFF086;
	s6 =	sadd.s32 @!p0 s3, s7;
	s7 =	simm.s32 @!p0 $0x108  }
0x21: {  	s3 =	sadd.s32 s3, s9;
	s6 =	sadd.s32 @!p0 $0x88, s6;
	s7 =	simm.s32 @p2 $0x1082  }
0x22: {  	[simem:s7], [sflag:s8] =	dma.local @!p0 [hbm:s6], $0xF7A  }
0x23: {  	s9 =	sor.u32 $0xD0000000, s2;
	s6 =	simm.s32 $0x108;
	_ =	swait.ge @!p0 [sflag:s8], $0x0  }
0x24: {  	s3 =	sadd.s32 $0x88, s3;
	s6 =	simm.s32 @!p1 $0x1082;
	[sflag:s4] =	ssyncset.s32 $0xFFFFF086  }
0x25: {  	[simem:s6], [sflag:s4] =	dma.local [hbm:s3], $0xF7A  }
0x26: {  	[smem:$0x3F9F] =	sst s1;
	(tag) =	ssettag s2;
	_ =	strace s9  }
0x27: {  	s1 =	sld [smem:$0x3FAF]  }
0x28: {  	s2 =	sld [smem:$0x3FB0]  }
0x29: {  	s4 =	sld [smem:$0x3FB2]  }
0x2a: {  	p0 =	seq.s32 s5, $0x0;
	s5 =	sld [smem:$0x3FB3]  }
0x2b: {  	s6 =	sld [smem:$0x3FB4]  }
0x2c: {  	s7 =	sld [smem:$0x3FB5]  }
0x2d: {  	s3 =	simm.s32 $0x108;
	s8 =	sld [smem:$0x3FB6]  }
0x2e: {  	s3 =	simm.s32 @!p0 $0x1082;
	s9 =	sld [smem:$0x3FB7]  }
0x2f: {  	lr =	sadd.s32 s0, s3;
	s0 =	sld [smem:$0x3FAE]  }
0x30: {  	s3 =	sld [smem:$0x3FB1]  }
0x31: {  	[smem:$0x3FBA] =	sst s10  }
0x32: {  	s10 =	sld [smem:$0x3FB8];
	_ =	sdelay $0x3  }
0x33: {  	p0 =	seq.s32 s10, $0x1;
	s10 =	sld [smem:$0x3FBA];
	_ =	sdelay $0x3  }
0x34: {  	[smem:$0x3FBA] =	sst s10  }
0x35: {  	s10 =	sld [smem:$0x3FB9];
	_ =	sdelay $0x3  }
0x36: {  	p1 =	seq.s32 s10, $0x1;
	s10 =	sld [smem:$0x3FBA];
	_ =	sdelay $0x3  }
0x37: {  	[smem:$0x3FBA] =	sst s10  }
0x38: {  	s10 =	sld [smem:$0x3FBB]  }
0x39: {  	_ = 	snop;
	(pc) =	sbr.ind lr, $3  }
0x3a: {  	_ = 	snop  }
0x3b: {  	_ = 	snop  }
0x3c: {  	p2 =	seq.s32 s10, $0x1;
	s10 =	sld [smem:$0x3FBA]  }
0x3d: {  	_ =	shalt  }
0x3e: {  	_ =	shalt  }
0x3f: {  	_ =	shalt  }
0x40: {  	_ =	shalt  }
0x41: {  	_ =	shalt  }
0x42: {  	_ =	shalt  }
0x43: {  	_ =	shalt  }
0x44: {  	_ =	shalt  }
0x45: {  	_ =	shalt  }
0x46: {  	_ =	shalt  }
0x47: {  	_ =	shalt  }
0x48: {  	_ =	shalt  }
0x49: {  	_ =	shalt  }
0x4a: {  	_ =	shalt  }
0x4b: {  	_ =	shalt  }
0x4c: {  	_ =	shalt  }
0x4d: {  	_ =	shalt  }
0x4e: {  	_ =	shalt  }
0x4f: {  	_ =	shalt  }
0x50: {  	_ =	shalt  }
0x51: {  	_ =	shalt  }
0x52: {  	_ =	shalt  }
0x53: {  	_ =	shalt  }
0x54: {  	_ =	shalt  }
0x55: {  	_ =	shalt  }
0x56: {  	_ =	shalt  }
0x57: {  	_ =	shalt  }
0x58: {  	_ =	shalt  }
0x59: {  	_ =	shalt  }
0x5a: {  	_ =	shalt  }
0x5b: {  	_ =	shalt  }
0x5c: {  	_ =	shalt  }
0x5d: {  	_ =	shalt  }
0x5e: {  	_ =	shalt  }
0x5f: {  	_ =	shalt  }
0x60: {  	_ =	shalt  }
0x61: {  	_ =	shalt  }
0x62: {  	_ =	shalt  }
0x63: {  	_ =	shalt  }
0x64: {  	_ =	shalt  }
0x65: {  	_ =	shalt  }
0x66: {  	_ =	shalt  }
0x67: {  	_ =	shalt  }
0x68: {  	_ =	shalt  }
0x69: {  	_ =	shalt  }
0x6a: {  	_ =	shalt  }
0x6b: {  	_ =	shalt  }
0x6c: {  	_ =	shalt  }
0x6d: {  	_ =	shalt  }
0x6e: {  	_ =	shalt  }
0x6f: {  	_ =	shalt  }
0x70: {  	_ =	shalt  }
0x71: {  	_ =	shalt  }
0x72: {  	_ =	shalt  }
0x73: {  	_ =	shalt  }
0x74: {  	_ =	shalt  }
0x75: {  	_ =	shalt  }
0x76: {  	_ =	shalt  }
0x77: {  	_ =	shalt  }
0x78: {  	_ =	shalt  }
0x79: {  	_ =	shalt  }
0x7a: {  	_ =	shalt  }
0x7b: {  	_ =	shalt  }
0x7c: {  	_ =	shalt  }
0x7d: {  	_ =	shalt  }
0x7e: {  	_ =	shalt  }
0x7f: {  	_ =	shalt  }
0x80: {  	_ =	shalt  }
0x81: {  	_ =	shalt  }
0x82: {  	_ =	shalt  }
0x83: {  	_ =	shalt  }
0x84: {  	_ =	shalt  }
0x85: {  	_ =	shalt  }
0x86: {  	_ =	shalt  }
0x87: {  	_ =	shalt  }
.Lfunc_end0:
.L_simem_size_0:
called_computation_lowered:
.L_overlay_start_0:
0x88: {  	s2 =	sld [smem:$0x3FD9]  }
0x89: {  	s3 =	sld [smem:$0x3FFE];
	_ =	sdelay $0x1  }
0x8a: {  	s1 =	srdreg.scid  }
0x8b: {  	s0 =	sand.u32 $0x1, s1  }
0x8c: {  	s18 =	sshll.u32 s0, $0xA;
	s2 =	sadd.s32 s3, s2  }
0x8d: {  	s2 =	sadd.s32 s2, s18  }
0x8e: {  	[smem:$0x3FC6] =	sst s2  }
0x8f: {  	_ = 	snop  }
0x90: {  	s2 =	sld [smem:$0x3FC9]  }
0x91: {  	s19 =	sld [smem:$0x3FC8]  }
0x92: {  	s4 =	sld [smem:$0x3FD0];
	(tm) =	ssettm $0x1  }
0x93: {  	s5 =	sld [smem:$0x3FFB];
	_ =	sdelay $0x3  }
0x94: {  	_ =	strace s5  }
0x95: {  	s5 =	sld [smem:$0x3FFC];
	_ =	sdelay $0x3  }
0x96: {  	_ =	strace s5  }
0x97: {  	s5 =	sld [smem:$0x3FFD];
	_ =	sdelay $0x3  }
0x98: {  	_ =	strace s5  }
0x99: {  	_ =	strace $0x8FFFFFFF  }
0x9a: {  	s20 =	sld [smem:$0x3FDB];
	_ =	sdelay $0x1  }
0x9b: {  	s6 =	simm.s32 $_scs_section_size  }
0x9c: {  	s7 =	simm.s32 $_size__tile_overlayer_lowered;
	s8 =	simm.s32 $_tile_overlayer_lowered  }
0x9d: {  	s23 =	simm.s32 $0x1BFF;
	s22 =	sshll.u32 s8, $0x1;
	s5 =	sadd.s32 s6, s20  }
0x9e: {  	s9 =	simm.s32 $0x0;
	s21 =	sshll.u32 s7, $0x1;
	s7 =	sadd.s32 s22, s5  }
0x9f: {  	[timem:s9], [sflag:s23] =	dma.local [hbm:s7], s21  }
0xa0: {  	_ =	swait.ge [sflag:s23], s21  }
0xa1: {  	s6 =	ssub.s32 $0x0, s21;
	[sflag:s23] =	ssyncset.done $0x0  }
0xa2: {  	[sflag:s23] =	ssyncadd.s32 s6;
	_ =	sdelay $0x1  }
0xa3: {  	s24 =	simm.s32 $0x1B8B  }
0xa4: {  	_ =	swait.ge [sflag:s24], $0x1  }
0xa5: {  	[sflag:s24] =	ssyncset.done $0x0  }
0xa6: {  	s25 =	simm.s32 $0x1B8E;
	[sflag:s24] =	ssyncadd.s32 $0xFFFFFFFF  }
0xa7: {  	s26 =	simm.s32 $execute0_lowered;
	[smem:$0x3FD2] =	sst s25  }
0xa8: {  	s6 =	sshll.u32 s26, $0x1;
	_ =	strace $0x80000046;
	[dreg:$0x1] =	wrdreg $0xFFFFFFFF  }
0xa9: {  	s28 =	simm.s32 $_size_execute0_lowered;
	s5 =	sadd.s32 s5, s6;
	[dreg:$0x0] =	wrdreg $0x0  }
0xaa: {  	s6 =	sshll.u32 s28, $0x1;
	[dreg:$0x2] =	wrdreg s5  }
0xab: {  	[dreg:$0x3] =	wrdreg s6  }
0xac: {  	[dreg:$0x4] =	wrdreg $0xC0  }
0xad: {  	_ =	task [dreg:s9], $0x5FFFF  }
0xae: {  	[dreg:$0x1] =	wrdreg $0xFFFFFFFF  }
0xaf: {  	[dreg:$0x0] =	wrdreg $0x60  }
0xb0: {  	[dreg:$0x2] =	wrdreg s2  }
0xb1: {  	[dreg:$0x3] =	wrdreg s19  }
0xb2: {  	[dreg:$0x4] =	wrdreg s4  }
0xb3: {  	[dreg:$0x5] =	wrdreg $0x9  }
0xb4: {  	_ =	task.clear_ibuf [dreg:s9], $0x6FFFF;
	_ =	strace $0x90000046  }
0xb5: {  	s29 =	simm.s32 $0x9;
	_ =	strace $0x80000048  }
0xb6: {  	_ =	swait.ge [sflag:s29], $0x1  }
0xb7: {  	[sflag:s29] =	ssyncadd.s32 $0xFFFFFFFF  }
0xb8: {  	_ =	strace $0x90000048  }
0xb9: {  	_ =	sfence  }
0xba: {  	s30 =	sld [smem:$0x0];
	_ =	sdelay $0x2  }
0xbb: {  	s31 =	sshll.u32 s1, $0xD;
	s1 =	sshrl.u32 s1, $0x2  }
0xbc: {  	s3 =	sand.u32 $0x4000, s31;
	s1 =	sadd.s32 s1, s30  }
0xbd: {  	s0 =	sor.u32 s3, s0;
	s1 =	sshll.u32 s1, $0x11  }
0xbe: {  	s0 =	sor.u32 s1, s0  }
0xbf: {  	s0 =	sadd.s32 $0x8F2B, s0  }
0xc0: {  	[sflag:s0] =	ssyncadd.remote.s32 $0x1  }
0xc1: {  	_ =	sfence.sel $0xFFFF  }
0xc2: {  	[dreg:$0x0] =	wrdreg $0xFFFFFFFF;
	(pc) =	sbr.abs _section_cstart, $3  }
0xc3: {  	[dreg:$0x1] =	wrdreg $0xFFFFFFFF  }
0xc4: {  	_ =	task.clear_ibuf [dreg:s9], $0x2FFFF;
	_ =	strace $0x9FFFFFFF  }
0xc5: {  	(tm) =	ssettm $0x7FFFFFFF  }
tec
execute0_lowered:
.L_overlay_start_1:
0x0: {  	(tag) =	ssettag $0x1  }
0x1: {  	s7 =	rddreg [dreg:$0x0]  }
0x2: {  	s3 =	rddreg [dreg:$0x1]  }
0x3: {  	s11 =	rddreg [dreg:$0x2]  }
0x4: {  	s0 =	rddreg [dreg:$0x3];
	s4 =	srdreg.scid  }
0x5: {  	s2 =	simm.s32 $0x0;
	s1 =	stileid.u32;
	s17 =	simm.s32 $0x2000  }
0x6: {  	s18 =	simm.s32 $0x4000;
	s19 =	simm.s32 $0x6000;
	s20 =	simm.s32 $0x8000  }
0x7: {  	s21 =	simm.s32 $0x1;
	s22 =	simm.s32 $0x3000;
	s23 =	simm.s32 $0x5000  }
0x8: {  	s24 =	simm.s32 $0x7000;
	s25 =	simm.s32 $0x9000;
	s26 =	simm.s32 $0x2  }
0x9: {  	s28 =	simm.s32 $0x0;
	s4 =	sand.u32 $0x1, s4;
	s6 =	sshll.u32 s1, $0xB  }
0xa: {  	[smem:$0x7FF] =	sst s2;
	s5 =	ssub.s32 $0x2, s4;
	s4 =	sshll.u32 s4, $0xA  }
0xb: {  	_ =	strace $0x80000047;
	s8 =	sshrl.u32 s5, $0x1;
	s9 =	sor.u32 s4, s6  }
0xc: {  	s16 =	ssub.s32 s5, s8;
	s3 =	sadd.s32 s3, s9;
	s4 =	sadd.s32 s7, s9  }
0xd: {  	s10 =	sor.u32 $0x8000, s9;
	s12 =	sor.u32 $0x10000, s9;
	s13 =	sor.u32 $0x18000, s9  }
0xe: {  	s8 =	sadd.s32 s11, s9;
	s5 =	sadd.s32 s7, s10;
	s6 =	sadd.s32 s7, s12  }
0xf: {  	s7 =	sadd.s32 s7, s13;
	s9 =	sadd.s32 s11, s10;
	s10 =	sadd.s32 s11, s12  }
0x10: {  	s11 =	sadd.s32 s11, s13;
	s12 =	sadd.s32 $0x200, s8;
	s13 =	sadd.s32 $0x8200, s8  }
0x11: {  	s14 =	sadd.s32 $0x10200, s8;
	s15 =	sadd.s32 $0x18200, s8;
	s16 =	smax.u32 s16, $0x1  }
.LBB2_1:
0x12: {  	[tilespmem:s2], [sflag:$0x1] =	stream.linear.gather [hbm4b:s3+s2], $0x2000, $0x38;
	[tilespmem:$0xA000] =	vst v63  }
0x13: {  	_ = 	snop  }
0x14: {  	[tilespmem:s17], [sflag:$0x1] =	stream.linear.gather [hbm4b:s4+s2], $0x2000, $0x38;
	[tilespmem:$0xA000] =	vst v63  }
0x15: {  	_ = 	snop  }
0x16: {  	[tilespmem:s18], [sflag:$0x1] =	stream.linear.gather [hbm4b:s5+s2], $0x2000, $0x38;
	[tilespmem:$0xA000] =	vst v63  }
0x17: {  	_ = 	snop  }
0x18: {  	[tilespmem:s19], [sflag:$0x1] =	stream.linear.gather [hbm4b:s6+s2], $0x2000, $0x38;
	[tilespmem:$0xA000] =	vst v63  }
0x19: {  	_ = 	snop  }
0x1a: {  	[tilespmem:s20], [sflag:$0x1] =	stream.linear.gather [hbm4b:s7+s2], $0x2000, $0x38;
	[tilespmem:$0xA000] =	vst v63  }
0x1b: {  	_ =	swait.ge [sflag:s21], $0x2000  }
0x1c: {  	[sflag:s21] =	ssyncset.done $0x0  }
0x1d: {  	[sflag:s21] =	ssyncadd.s32 $0xFFFFE000  }
0x1e: {  	_ =	swait.ge [sflag:s21], $0x2000  }
0x1f: {  	[sflag:s21] =	ssyncset.done $0x0  }
0x20: {  	[sflag:s21] =	ssyncadd.s32 $0xFFFFE000  }
0x21: {  	_ =	swait.ge [sflag:s21], $0x2000  }
0x22: {  	[sflag:s21] =	ssyncset.done $0x0  }
0x23: {  	[sflag:s21] =	ssyncadd.s32 $0xFFFFE000  }
0x24: {  	_ =	swait.ge [sflag:s21], $0x2000  }
0x25: {  	[sflag:s21] =	ssyncset.done $0x0  }
0x26: {  	[sflag:s21] =	ssyncadd.s32 $0xFFFFE000  }
0x27: {  	_ =	swait.ge [sflag:s21], $0x2000  }
0x28: {  	[sflag:s21] =	ssyncset.done $0x0  }
0x29: {  	s29 =	simm.s32 $0x0;
	[sflag:s21] =	ssyncadd.s32 $0xFFFFE000  }
0x2a: {  	v0 =	vld [tilespmem:s29+$0xF0]  }
0x2b: {  	v1 =	vld [tilespmem:s29+$0x0]  }
0x2c: {  	v2 =	vld [tilespmem:s29+$0x10]  }
0x2d: {  	v3 =	vld [tilespmem:s29+$0x20]  }
0x2e: {  	v4 =	vld [tilespmem:s29+$0x30]  }
0x2f: {  	v5 =	vld [tilespmem:s29+$0x40]  }
0x30: {  	v6 =	vld [tilespmem:s29+$0x50]  }
0x31: {  	v7 =	vld [tilespmem:s29+$0x60]  }
0x32: {  	v8 =	vld [tilespmem:s29+$0x70]  }
0x33: {  	v9 =	vld [tilespmem:s29+$0x80]  }
0x34: {  	v10 =	vld [tilespmem:s29+$0x90]  }
0x35: {  	v11 =	vld [tilespmem:s29+$0xA0]  }
0x36: {  	v12 =	vld [tilespmem:s29+$0xB0]  }
0x37: {  	v13 =	vld [tilespmem:s29+$0xC0]  }
0x38: {  	v14 =	vld [tilespmem:s29+$0xD0]  }
0x39: {  	v15 =	vld [tilespmem:s29+$0xE0]  }
0x3a: {  	[tilespmem:s29+$0x80F0] =	vst.add.f32.msk $0xffff, v0  }
0x3b: {  	[tilespmem:s29+$0x2000] =	vst.add.f32.msk $0xffff, v1  }
0x3c: {  	[tilespmem:s29+$0x4000] =	vst.add.f32.msk $0xffff, v1  }
0x3d: {  	[tilespmem:s29+$0x6000] =	vst.add.f32.msk $0xffff, v1  }
0x3e: {  	[tilespmem:s29+$0x8000] =	vst.add.f32.msk $0xffff, v1  }
0x3f: {  	[tilespmem:s29+$0x2010] =	vst.add.f32.msk $0xffff, v2  }
0x40: {  	[tilespmem:s29+$0x4010] =	vst.add.f32.msk $0xffff, v2  }
0x41: {  	[tilespmem:s29+$0x6010] =	vst.add.f32.msk $0xffff, v2  }
0x42: {  	[tilespmem:s29+$0x8010] =	vst.add.f32.msk $0xffff, v2  }
0x43: {  	[tilespmem:s29+$0x2020] =	vst.add.f32.msk $0xffff, v3  }
0x44: {  	[tilespmem:s29+$0x4020] =	vst.add.f32.msk $0xffff, v3  }
0x45: {  	[tilespmem:s29+$0x6020] =	vst.add.f32.msk $0xffff, v3  }
0x46: {  	[tilespmem:s29+$0x8020] =	vst.add.f32.msk $0xffff, v3  }
0x47: {  	[tilespmem:s29+$0x2030] =	vst.add.f32.msk $0xffff, v4  }
0x48: {  	[tilespmem:s29+$0x4030] =	vst.add.f32.msk $0xffff, v4  }
0x49: {  	[tilespmem:s29+$0x6030] =	vst.add.f32.msk $0xffff, v4  }
0x4a: {  	[tilespmem:s29+$0x8030] =	vst.add.f32.msk $0xffff, v4  }
0x4b: {  	[tilespmem:s29+$0x2040] =	vst.add.f32.msk $0xffff, v5  }
0x4c: {  	[tilespmem:s29+$0x4040] =	vst.add.f32.msk $0xffff, v5  }
0x4d: {  	[tilespmem:s29+$0x6040] =	vst.add.f32.msk $0xffff, v5  }
0x4e: {  	[tilespmem:s29+$0x8040] =	vst.add.f32.msk $0xffff, v5  }
0x4f: {  	[tilespmem:s29+$0x2050] =	vst.add.f32.msk $0xffff, v6  }
0x50: {  	[tilespmem:s29+$0x4050] =	vst.add.f32.msk $0xffff, v6  }
0x51: {  	[tilespmem:s29+$0x6050] =	vst.add.f32.msk $0xffff, v6  }
0x52: {  	[tilespmem:s29+$0x8050] =	vst.add.f32.msk $0xffff, v6  }
0x53: {  	[tilespmem:s29+$0x2060] =	vst.add.f32.msk $0xffff, v7  }
0x54: {  	[tilespmem:s29+$0x4060] =	vst.add.f32.msk $0xffff, v7  }
0x55: {  	[tilespmem:s29+$0x6060] =	vst.add.f32.msk $0xffff, v7  }
0x56: {  	[tilespmem:s29+$0x8060] =	vst.add.f32.msk $0xffff, v7  }
0x57: {  	[tilespmem:s29+$0x2070] =	vst.add.f32.msk $0xffff, v8  }
0x58: {  	[tilespmem:s29+$0x4070] =	vst.add.f32.msk $0xffff, v8  }
0x59: {  	[tilespmem:s29+$0x6070] =	vst.add.f32.msk $0xffff, v8  }
0x5a: {  	[tilespmem:s29+$0x8070] =	vst.add.f32.msk $0xffff, v8  }
0x5b: {  	[tilespmem:s29+$0x2080] =	vst.add.f32.msk $0xffff, v9  }
0x5c: {  	[tilespmem:s29+$0x4080] =	vst.add.f32.msk $0xffff, v9  }
0x5d: {  	[tilespmem:s29+$0x6080] =	vst.add.f32.msk $0xffff, v9  }
0x5e: {  	[tilespmem:s29+$0x8080] =	vst.add.f32.msk $0xffff, v9  }
0x5f: {  	[tilespmem:s29+$0x2090] =	vst.add.f32.msk $0xffff, v10  }
0x60: {  	[tilespmem:s29+$0x4090] =	vst.add.f32.msk $0xffff, v10  }
0x61: {  	[tilespmem:s29+$0x6090] =	vst.add.f32.msk $0xffff, v10  }
0x62: {  	[tilespmem:s29+$0x8090] =	vst.add.f32.msk $0xffff, v10  }
0x63: {  	[tilespmem:s29+$0x20A0] =	vst.add.f32.msk $0xffff, v11  }
0x64: {  	[tilespmem:s29+$0x40A0] =	vst.add.f32.msk $0xffff, v11  }
0x65: {  	[tilespmem:s29+$0x60A0] =	vst.add.f32.msk $0xffff, v11  }
0x66: {  	[tilespmem:s29+$0x80A0] =	vst.add.f32.msk $0xffff, v11  }
0x67: {  	[tilespmem:s29+$0x20B0] =	vst.add.f32.msk $0xffff, v12  }
0x68: {  	[tilespmem:s29+$0x40B0] =	vst.add.f32.msk $0xffff, v12  }
0x69: {  	[tilespmem:s29+$0x60B0] =	vst.add.f32.msk $0xffff, v12  }
0x6a: {  	[tilespmem:s29+$0x80B0] =	vst.add.f32.msk $0xffff, v12  }
0x6b: {  	[tilespmem:s29+$0x20C0] =	vst.add.f32.msk $0xffff, v13  }
0x6c: {  	[tilespmem:s29+$0x40C0] =	vst.add.f32.msk $0xffff, v13  }
0x6d: {  	[tilespmem:s29+$0x60C0] =	vst.add.f32.msk $0xffff, v13  }
0x6e: {  	[tilespmem:s29+$0x80C0] =	vst.add.f32.msk $0xffff, v13  }
0x6f: {  	[tilespmem:s29+$0x20D0] =	vst.add.f32.msk $0xffff, v14  }
0x70: {  	[tilespmem:s29+$0x40D0] =	vst.add.f32.msk $0xffff, v14  }
0x71: {  	[tilespmem:s29+$0x60D0] =	vst.add.f32.msk $0xffff, v14  }
0x72: {  	[tilespmem:s29+$0x80D0] =	vst.add.f32.msk $0xffff, v14  }
0x73: {  	[tilespmem:s29+$0x20E0] =	vst.add.f32.msk $0xffff, v15  }
0x74: {  	[tilespmem:s29+$0x40E0] =	vst.add.f32.msk $0xffff, v15  }
0x75: {  	[tilespmem:s29+$0x60E0] =	vst.add.f32.msk $0xffff, v15  }
0x76: {  	[tilespmem:s29+$0x80E0] =	vst.add.f32.msk $0xffff, v15  }
0x77: {  	[tilespmem:s29+$0x20F0] =	vst.add.f32.msk $0xffff, v0  }
0x78: {  	s30 =	simm.s32 $0x0;
	s31 =	simm.s32 $0x400;
	[tilespmem:s29+$0x40F0] =	vst.add.f32.msk $0xffff, v0  }
.LBB2_2:
0x79: {  	s30 =	sadd.s32 $0x2, s30;
	[tilespmem:s29+$0x60F0] =	vst.add.f32.msk $0xffff, v0;
	s29 =	sshra.s32 s31, $0x2  }
0x7a: {  	v0 =	vld [tilespmem:s29+$0xF0];
	p0 =	slt.u32 s30, $0x1E  }
0x7b: {  	v1 =	vld [tilespmem:s29+$0x0]  }
0x7c: {  	v2 =	vld [tilespmem:s29+$0x10]  }
0x7d: {  	v3 =	vld [tilespmem:s29+$0x20]  }
0x7e: {  	v4 =	vld [tilespmem:s29+$0x30]  }
0x7f: {  	[tilespmem:s29+$0x80F0] =	vst.add.f32.msk $0xffff, v0  }
0x80: {  	v5 =	vld [tilespmem:s29+$0x40]  }
0x81: {  	v6 =	vld [tilespmem:s29+$0x50]  }
0x82: {  	v7 =	vld [tilespmem:s29+$0x60]  }
0x83: {  	v8 =	vld [tilespmem:s29+$0x70]  }
0x84: {  	v9 =	vld [tilespmem:s29+$0x80]  }
0x85: {  	v10 =	vld [tilespmem:s29+$0x90]  }
0x86: {  	v11 =	vld [tilespmem:s29+$0xA0]  }
0x87: {  	v12 =	vld [tilespmem:s29+$0xB0]  }
0x88: {  	v13 =	vld [tilespmem:s29+$0xC0]  }
0x89: {  	v14 =	vld [tilespmem:s29+$0xD0]  }
0x8a: {  	v15 =	vld [tilespmem:s29+$0xE0]  }
0x8b: {  	[tilespmem:s29+$0x2000] =	vst.add.f32.msk $0xffff, v1  }
0x8c: {  	[tilespmem:s29+$0x4000] =	vst.add.f32.msk $0xffff, v1  }
0x8d: {  	[tilespmem:s29+$0x6000] =	vst.add.f32.msk $0xffff, v1  }
0x8e: {  	[tilespmem:s29+$0x8000] =	vst.add.f32.msk $0xffff, v1  }
0x8f: {  	[tilespmem:s29+$0x2010] =	vst.add.f32.msk $0xffff, v2  }
0x90: {  	[tilespmem:s29+$0x4010] =	vst.add.f32.msk $0xffff, v2  }
0x91: {  	[tilespmem:s29+$0x6010] =	vst.add.f32.msk $0xffff, v2  }
0x92: {  	[tilespmem:s29+$0x8010] =	vst.add.f32.msk $0xffff, v2  }
0x93: {  	[tilespmem:s29+$0x2020] =	vst.add.f32.msk $0xffff, v3  }
0x94: {  	[tilespmem:s29+$0x4020] =	vst.add.f32.msk $0xffff, v3  }
0x95: {  	[tilespmem:s29+$0x6020] =	vst.add.f32.msk $0xffff, v3  }
0x96: {  	[tilespmem:s29+$0x8020] =	vst.add.f32.msk $0xffff, v3  }
0x97: {  	[tilespmem:s29+$0x2030] =	vst.add.f32.msk $0xffff, v4  }
0x98: {  	[tilespmem:s29+$0x4030] =	vst.add.f32.msk $0xffff, v4  }
0x99: {  	[tilespmem:s29+$0x6030] =	vst.add.f32.msk $0xffff, v4  }
0x9a: {  	[tilespmem:s29+$0x8030] =	vst.add.f32.msk $0xffff, v4  }
0x9b: {  	[tilespmem:s29+$0x2040] =	vst.add.f32.msk $0xffff, v5  }
0x9c: {  	[tilespmem:s29+$0x4040] =	vst.add.f32.msk $0xffff, v5  }
0x9d: {  	[tilespmem:s29+$0x6040] =	vst.add.f32.msk $0xffff, v5  }
0x9e: {  	[tilespmem:s29+$0x8040] =	vst.add.f32.msk $0xffff, v5  }
0x9f: {  	[tilespmem:s29+$0x2050] =	vst.add.f32.msk $0xffff, v6  }
0xa0: {  	[tilespmem:s29+$0x4050] =	vst.add.f32.msk $0xffff, v6  }
0xa1: {  	[tilespmem:s29+$0x6050] =	vst.add.f32.msk $0xffff, v6  }
0xa2: {  	[tilespmem:s29+$0x8050] =	vst.add.f32.msk $0xffff, v6  }
0xa3: {  	[tilespmem:s29+$0x2060] =	vst.add.f32.msk $0xffff, v7  }
0xa4: {  	[tilespmem:s29+$0x4060] =	vst.add.f32.msk $0xffff, v7  }
0xa5: {  	[tilespmem:s29+$0x6060] =	vst.add.f32.msk $0xffff, v7  }
0xa6: {  	[tilespmem:s29+$0x8060] =	vst.add.f32.msk $0xffff, v7  }
0xa7: {  	[tilespmem:s29+$0x2070] =	vst.add.f32.msk $0xffff, v8  }
0xa8: {  	[tilespmem:s29+$0x4070] =	vst.add.f32.msk $0xffff, v8  }
0xa9: {  	[tilespmem:s29+$0x6070] =	vst.add.f32.msk $0xffff, v8  }
0xaa: {  	[tilespmem:s29+$0x8070] =	vst.add.f32.msk $0xffff, v8  }
0xab: {  	[tilespmem:s29+$0x2080] =	vst.add.f32.msk $0xffff, v9  }
0xac: {  	[tilespmem:s29+$0x4080] =	vst.add.f32.msk $0xffff, v9  }
0xad: {  	[tilespmem:s29+$0x6080] =	vst.add.f32.msk $0xffff, v9  }
0xae: {  	[tilespmem:s29+$0x8080] =	vst.add.f32.msk $0xffff, v9  }
0xaf: {  	[tilespmem:s29+$0x2090] =	vst.add.f32.msk $0xffff, v10  }
0xb0: {  	[tilespmem:s29+$0x4090] =	vst.add.f32.msk $0xffff, v10  }
0xb1: {  	[tilespmem:s29+$0x6090] =	vst.add.f32.msk $0xffff, v10  }
0xb2: {  	[tilespmem:s29+$0x8090] =	vst.add.f32.msk $0xffff, v10  }
0xb3: {  	[tilespmem:s29+$0x20A0] =	vst.add.f32.msk $0xffff, v11  }
0xb4: {  	[tilespmem:s29+$0x40A0] =	vst.add.f32.msk $0xffff, v11  }
0xb5: {  	[tilespmem:s29+$0x60A0] =	vst.add.f32.msk $0xffff, v11  }
0xb6: {  	[tilespmem:s29+$0x80A0] =	vst.add.f32.msk $0xffff, v11  }
0xb7: {  	[tilespmem:s29+$0x20B0] =	vst.add.f32.msk $0xffff, v12  }
0xb8: {  	[tilespmem:s29+$0x40B0] =	vst.add.f32.msk $0xffff, v12  }
0xb9: {  	[tilespmem:s29+$0x60B0] =	vst.add.f32.msk $0xffff, v12  }
0xba: {  	[tilespmem:s29+$0x80B0] =	vst.add.f32.msk $0xffff, v12  }
0xbb: {  	[tilespmem:s29+$0x20C0] =	vst.add.f32.msk $0xffff, v13  }
0xbc: {  	[tilespmem:s29+$0x40C0] =	vst.add.f32.msk $0xffff, v13  }
0xbd: {  	[tilespmem:s29+$0x60C0] =	vst.add.f32.msk $0xffff, v13  }
0xbe: {  	[tilespmem:s29+$0x80C0] =	vst.add.f32.msk $0xffff, v13  }
0xbf: {  	[tilespmem:s29+$0x20D0] =	vst.add.f32.msk $0xffff, v14  }
0xc0: {  	[tilespmem:s29+$0x40D0] =	vst.add.f32.msk $0xffff, v14  }
0xc1: {  	[tilespmem:s29+$0x60D0] =	vst.add.f32.msk $0xffff, v14  }
0xc2: {  	[tilespmem:s29+$0x80D0] =	vst.add.f32.msk $0xffff, v14  }
0xc3: {  	[tilespmem:s29+$0x20E0] =	vst.add.f32.msk $0xffff, v15  }
.Ltmp0:
0xc4: {  	[tilespmem:s29+$0x40E0] =	vst.add.f32.msk $0xffff, v15;
	(pc) =	sbr.rel @p0 .LBB2_2-.Ltmp0, $4  }
0xc5: {  	[tilespmem:s29+$0x60E0] =	vst.add.f32.msk $0xffff, v15  }
0xc6: {  	[tilespmem:s29+$0x80E0] =	vst.add.f32.msk $0xffff, v15  }
0xc7: {  	[tilespmem:s29+$0x20F0] =	vst.add.f32.msk $0xffff, v0  }
0xc8: {  	s31 =	sadd.s32 $0x400, s31;
	[tilespmem:s29+$0x40F0] =	vst.add.f32.msk $0xffff, v0  }
0xc9: {  	[tilespmem:s29+$0x60F0] =	vst.add.f32.msk $0xffff, v0;
	s29 =	simm.s32 $0x0  }
0xca: {  	[hbm4b:s8+s29] =	stream.linear.scatter [tilespmem:s17], [sflag:$0x2], $0x1000, $0x38;
	[tilespmem:$0xA000] =	vst v63  }
0xcb: {  	_ = 	snop  }
0xcc: {  	[hbm4b:s9+s29] =	stream.linear.scatter [tilespmem:s18], [sflag:$0x2], $0x1000, $0x38;
	[tilespmem:$0xA000] =	vst v63  }
0xcd: {  	_ = 	snop  }
0xce: {  	[hbm4b:s10+s29] =	stream.linear.scatter [tilespmem:s19], [sflag:$0x2], $0x1000, $0x38;
	[tilespmem:$0xA000] =	vst v63  }
0xcf: {  	_ = 	snop  }
0xd0: {  	[hbm4b:s11+s29] =	stream.linear.scatter [tilespmem:s20], [sflag:$0x2], $0x1000, $0x38;
	[tilespmem:$0xA000] =	vst v63  }
0xd1: {  	s29 =	simm.s32 $0x0  }
0xd2: {  	v0 =	vld [tilespmem:s29+$0x10F0]  }
0xd3: {  	v1 =	vld [tilespmem:s29+$0x1000]  }
0xd4: {  	v2 =	vld [tilespmem:s29+$0x1010]  }
0xd5: {  	v3 =	vld [tilespmem:s29+$0x1020]  }
0xd6: {  	v4 =	vld [tilespmem:s29+$0x1030]  }
0xd7: {  	v5 =	vld [tilespmem:s29+$0x1040]  }
0xd8: {  	v6 =	vld [tilespmem:s29+$0x1050]  }
0xd9: {  	v7 =	vld [tilespmem:s29+$0x1060]  }
0xda: {  	v8 =	vld [tilespmem:s29+$0x1070]  }
0xdb: {  	v9 =	vld [tilespmem:s29+$0x1080]  }
0xdc: {  	v10 =	vld [tilespmem:s29+$0x1090]  }
0xdd: {  	v11 =	vld [tilespmem:s29+$0x10A0]  }
0xde: {  	v12 =	vld [tilespmem:s29+$0x10B0]  }
0xdf: {  	v13 =	vld [tilespmem:s29+$0x10C0]  }
0xe0: {  	v14 =	vld [tilespmem:s29+$0x10D0]  }
0xe1: {  	v15 =	vld [tilespmem:s29+$0x10E0]  }
0xe2: {  	[tilespmem:s29+$0x90F0] =	vst.add.f32.msk $0xffff, v0  }
0xe3: {  	[tilespmem:s29+$0x3000] =	vst.add.f32.msk $0xffff, v1  }
0xe4: {  	[tilespmem:s29+$0x5000] =	vst.add.f32.msk $0xffff, v1  }
0xe5: {  	[tilespmem:s29+$0x7000] =	vst.add.f32.msk $0xffff, v1  }
0xe6: {  	[tilespmem:s29+$0x9000] =	vst.add.f32.msk $0xffff, v1  }
0xe7: {  	[tilespmem:s29+$0x3010] =	vst.add.f32.msk $0xffff, v2  }
0xe8: {  	[tilespmem:s29+$0x5010] =	vst.add.f32.msk $0xffff, v2  }
0xe9: {  	[tilespmem:s29+$0x7010] =	vst.add.f32.msk $0xffff, v2  }
0xea: {  	[tilespmem:s29+$0x9010] =	vst.add.f32.msk $0xffff, v2  }
0xeb: {  	[tilespmem:s29+$0x3020] =	vst.add.f32.msk $0xffff, v3  }
0xec: {  	[tilespmem:s29+$0x5020] =	vst.add.f32.msk $0xffff, v3  }
0xed: {  	[tilespmem:s29+$0x7020] =	vst.add.f32.msk $0xffff, v3  }
0xee: {  	[tilespmem:s29+$0x9020] =	vst.add.f32.msk $0xffff, v3  }
0xef: {  	[tilespmem:s29+$0x3030] =	vst.add.f32.msk $0xffff, v4  }
0xf0: {  	[tilespmem:s29+$0x5030] =	vst.add.f32.msk $0xffff, v4  }
0xf1: {  	[tilespmem:s29+$0x7030] =	vst.add.f32.msk $0xffff, v4  }
0xf2: {  	[tilespmem:s29+$0x9030] =	vst.add.f32.msk $0xffff, v4  }
0xf3: {  	[tilespmem:s29+$0x3040] =	vst.add.f32.msk $0xffff, v5  }
0xf4: {  	[tilespmem:s29+$0x5040] =	vst.add.f32.msk $0xffff, v5  }
0xf5: {  	[tilespmem:s29+$0x7040] =	vst.add.f32.msk $0xffff, v5  }
0xf6: {  	[tilespmem:s29+$0x9040] =	vst.add.f32.msk $0xffff, v5  }
0xf7: {  	[tilespmem:s29+$0x3050] =	vst.add.f32.msk $0xffff, v6  }
0xf8: {  	[tilespmem:s29+$0x5050] =	vst.add.f32.msk $0xffff, v6  }
0xf9: {  	[tilespmem:s29+$0x7050] =	vst.add.f32.msk $0xffff, v6  }
0xfa: {  	[tilespmem:s29+$0x9050] =	vst.add.f32.msk $0xffff, v6  }
0xfb: {  	[tilespmem:s29+$0x3060] =	vst.add.f32.msk $0xffff, v7  }
0xfc: {  	[tilespmem:s29+$0x5060] =	vst.add.f32.msk $0xffff, v7  }
0xfd: {  	[tilespmem:s29+$0x7060] =	vst.add.f32.msk $0xffff, v7  }
0xfe: {  	[tilespmem:s29+$0x9060] =	vst.add.f32.msk $0xffff, v7  }
0xff: {  	[tilespmem:s29+$0x3070] =	vst.add.f32.msk $0xffff, v8  }
0x100: {  	[tilespmem:s29+$0x5070] =	vst.add.f32.msk $0xffff, v8  }
0x101: {  	[tilespmem:s29+$0x7070] =	vst.add.f32.msk $0xffff, v8  }
0x102: {  	[tilespmem:s29+$0x9070] =	vst.add.f32.msk $0xffff, v8  }
0x103: {  	[tilespmem:s29+$0x3080] =	vst.add.f32.msk $0xffff, v9  }
0x104: {  	[tilespmem:s29+$0x5080] =	vst.add.f32.msk $0xffff, v9  }
0x105: {  	[tilespmem:s29+$0x7080] =	vst.add.f32.msk $0xffff, v9  }
0x106: {  	[tilespmem:s29+$0x9080] =	vst.add.f32.msk $0xffff, v9  }
0x107: {  	[tilespmem:s29+$0x3090] =	vst.add.f32.msk $0xffff, v10  }
0x108: {  	[tilespmem:s29+$0x5090] =	vst.add.f32.msk $0xffff, v10  }
0x109: {  	[tilespmem:s29+$0x7090] =	vst.add.f32.msk $0xffff, v10  }
0x10a: {  	[tilespmem:s29+$0x9090] =	vst.add.f32.msk $0xffff, v10  }
0x10b: {  	[tilespmem:s29+$0x30A0] =	vst.add.f32.msk $0xffff, v11  }
0x10c: {  	[tilespmem:s29+$0x50A0] =	vst.add.f32.msk $0xffff, v11  }
0x10d: {  	[tilespmem:s29+$0x70A0] =	vst.add.f32.msk $0xffff, v11  }
0x10e: {  	[tilespmem:s29+$0x90A0] =	vst.add.f32.msk $0xffff, v11  }
0x10f: {  	[tilespmem:s29+$0x30B0] =	vst.add.f32.msk $0xffff, v12  }
0x110: {  	[tilespmem:s29+$0x50B0] =	vst.add.f32.msk $0xffff, v12  }
0x111: {  	[tilespmem:s29+$0x70B0] =	vst.add.f32.msk $0xffff, v12  }
0x112: {  	[tilespmem:s29+$0x90B0] =	vst.add.f32.msk $0xffff, v12  }
0x113: {  	[tilespmem:s29+$0x30C0] =	vst.add.f32.msk $0xffff, v13  }
0x114: {  	[tilespmem:s29+$0x50C0] =	vst.add.f32.msk $0xffff, v13  }
0x115: {  	[tilespmem:s29+$0x70C0] =	vst.add.f32.msk $0xffff, v13  }
0x116: {  	[tilespmem:s29+$0x90C0] =	vst.add.f32.msk $0xffff, v13  }
0x117: {  	[tilespmem:s29+$0x30D0] =	vst.add.f32.msk $0xffff, v14  }
0x118: {  	[tilespmem:s29+$0x50D0] =	vst.add.f32.msk $0xffff, v14  }
0x119: {  	[tilespmem:s29+$0x70D0] =	vst.add.f32.msk $0xffff, v14  }
0x11a: {  	[tilespmem:s29+$0x90D0] =	vst.add.f32.msk $0xffff, v14  }
0x11b: {  	[tilespmem:s29+$0x30E0] =	vst.add.f32.msk $0xffff, v15  }
0x11c: {  	[tilespmem:s29+$0x50E0] =	vst.add.f32.msk $0xffff, v15  }
0x11d: {  	[tilespmem:s29+$0x70E0] =	vst.add.f32.msk $0xffff, v15  }
0x11e: {  	[tilespmem:s29+$0x90E0] =	vst.add.f32.msk $0xffff, v15  }
0x11f: {  	[tilespmem:s29+$0x30F0] =	vst.add.f32.msk $0xffff, v0  }
0x120: {  	s30 =	simm.s32 $0x20;
	s31 =	simm.s32 $0x400;
	[tilespmem:s29+$0x50F0] =	vst.add.f32.msk $0xffff, v0  }
.LBB2_4:
0x121: {  	s30 =	sadd.s32 $0x2, s30;
	[tilespmem:s29+$0x70F0] =	vst.add.f32.msk $0xffff, v0;
	s29 =	sshra.s32 s31, $0x2  }
0x122: {  	v0 =	vld [tilespmem:s29+$0x10F0];
	p0 =	slt.u32 s30, $0x3E  }
0x123: {  	v1 =	vld [tilespmem:s29+$0x1000]  }
0x124: {  	v2 =	vld [tilespmem:s29+$0x1010]  }
0x125: {  	v3 =	vld [tilespmem:s29+$0x1020]  }
0x126: {  	v4 =	vld [tilespmem:s29+$0x1030]  }
0x127: {  	[tilespmem:s29+$0x90F0] =	vst.add.f32.msk $0xffff, v0  }
0x128: {  	v5 =	vld [tilespmem:s29+$0x1040]  }
0x129: {  	v6 =	vld [tilespmem:s29+$0x1050]  }
0x12a: {  	v7 =	vld [tilespmem:s29+$0x1060]  }
0x12b: {  	v8 =	vld [tilespmem:s29+$0x1070]  }
0x12c: {  	v9 =	vld [tilespmem:s29+$0x1080]  }
0x12d: {  	v10 =	vld [tilespmem:s29+$0x1090]  }
0x12e: {  	v11 =	vld [tilespmem:s29+$0x10A0]  }
0x12f: {  	v12 =	vld [tilespmem:s29+$0x10B0]  }
0x130: {  	v13 =	vld [tilespmem:s29+$0x10C0]  }
0x131: {  	v14 =	vld [tilespmem:s29+$0x10D0]  }
0x132: {  	v15 =	vld [tilespmem:s29+$0x10E0]  }
0x133: {  	[tilespmem:s29+$0x3000] =	vst.add.f32.msk $0xffff, v1  }
0x134: {  	[tilespmem:s29+$0x5000] =	vst.add.f32.msk $0xffff, v1  }
0x135: {  	[tilespmem:s29+$0x7000] =	vst.add.f32.msk $0xffff, v1  }
0x136: {  	[tilespmem:s29+$0x9000] =	vst.add.f32.msk $0xffff, v1  }
0x137: {  	[tilespmem:s29+$0x3010] =	vst.add.f32.msk $0xffff, v2  }
0x138: {  	[tilespmem:s29+$0x5010] =	vst.add.f32.msk $0xffff, v2  }
0x139: {  	[tilespmem:s29+$0x7010] =	vst.add.f32.msk $0xffff, v2  }
0x13a: {  	[tilespmem:s29+$0x9010] =	vst.add.f32.msk $0xffff, v2  }
0x13b: {  	[tilespmem:s29+$0x3020] =	vst.add.f32.msk $0xffff, v3  }
0x13c: {  	[tilespmem:s29+$0x5020] =	vst.add.f32.msk $0xffff, v3  }
0x13d: {  	[tilespmem:s29+$0x7020] =	vst.add.f32.msk $0xffff, v3  }
0x13e: {  	[tilespmem:s29+$0x9020] =	vst.add.f32.msk $0xffff, v3  }
0x13f: {  	[tilespmem:s29+$0x3030] =	vst.add.f32.msk $0xffff, v4  }
0x140: {  	[tilespmem:s29+$0x5030] =	vst.add.f32.msk $0xffff, v4  }
0x141: {  	[tilespmem:s29+$0x7030] =	vst.add.f32.msk $0xffff, v4  }
0x142: {  	[tilespmem:s29+$0x9030] =	vst.add.f32.msk $0xffff, v4  }
0x143: {  	[tilespmem:s29+$0x3040] =	vst.add.f32.msk $0xffff, v5  }
0x144: {  	[tilespmem:s29+$0x5040] =	vst.add.f32.msk $0xffff, v5  }
0x145: {  	[tilespmem:s29+$0x7040] =	vst.add.f32.msk $0xffff, v5  }
0x146: {  	[tilespmem:s29+$0x9040] =	vst.add.f32.msk $0xffff, v5  }
0x147: {  	[tilespmem:s29+$0x3050] =	vst.add.f32.msk $0xffff, v6  }
0x148: {  	[tilespmem:s29+$0x5050] =	vst.add.f32.msk $0xffff, v6  }
0x149: {  	[tilespmem:s29+$0x7050] =	vst.add.f32.msk $0xffff, v6  }
0x14a: {  	[tilespmem:s29+$0x9050] =	vst.add.f32.msk $0xffff, v6  }
0x14b: {  	[tilespmem:s29+$0x3060] =	vst.add.f32.msk $0xffff, v7  }
0x14c: {  	[tilespmem:s29+$0x5060] =	vst.add.f32.msk $0xffff, v7  }
0x14d: {  	[tilespmem:s29+$0x7060] =	vst.add.f32.msk $0xffff, v7  }
0x14e: {  	[tilespmem:s29+$0x9060] =	vst.add.f32.msk $0xffff, v7  }
0x14f: {  	[tilespmem:s29+$0x3070] =	vst.add.f32.msk $0xffff, v8  }
0x150: {  	[tilespmem:s29+$0x5070] =	vst.add.f32.msk $0xffff, v8  }
0x151: {  	[tilespmem:s29+$0x7070] =	vst.add.f32.msk $0xffff, v8  }
0x152: {  	[tilespmem:s29+$0x9070] =	vst.add.f32.msk $0xffff, v8  }
0x153: {  	[tilespmem:s29+$0x3080] =	vst.add.f32.msk $0xffff, v9  }
0x154: {  	[tilespmem:s29+$0x5080] =	vst.add.f32.msk $0xffff, v9  }
0x155: {  	[tilespmem:s29+$0x7080] =	vst.add.f32.msk $0xffff, v9  }
0x156: {  	[tilespmem:s29+$0x9080] =	vst.add.f32.msk $0xffff, v9  }
0x157: {  	[tilespmem:s29+$0x3090] =	vst.add.f32.msk $0xffff, v10  }
0x158: {  	[tilespmem:s29+$0x5090] =	vst.add.f32.msk $0xffff, v10  }
0x159: {  	[tilespmem:s29+$0x7090] =	vst.add.f32.msk $0xffff, v10  }
0x15a: {  	[tilespmem:s29+$0x9090] =	vst.add.f32.msk $0xffff, v10  }
0x15b: {  	[tilespmem:s29+$0x30A0] =	vst.add.f32.msk $0xffff, v11  }
0x15c: {  	[tilespmem:s29+$0x50A0] =	vst.add.f32.msk $0xffff, v11  }
0x15d: {  	[tilespmem:s29+$0x70A0] =	vst.add.f32.msk $0xffff, v11  }
0x15e: {  	[tilespmem:s29+$0x90A0] =	vst.add.f32.msk $0xffff, v11  }
0x15f: {  	[tilespmem:s29+$0x30B0] =	vst.add.f32.msk $0xffff, v12  }
0x160: {  	[tilespmem:s29+$0x50B0] =	vst.add.f32.msk $0xffff, v12  }
0x161: {  	[tilespmem:s29+$0x70B0] =	vst.add.f32.msk $0xffff, v12  }
0x162: {  	[tilespmem:s29+$0x90B0] =	vst.add.f32.msk $0xffff, v12  }
0x163: {  	[tilespmem:s29+$0x30C0] =	vst.add.f32.msk $0xffff, v13  }
0x164: {  	[tilespmem:s29+$0x50C0] =	vst.add.f32.msk $0xffff, v13  }
0x165: {  	[tilespmem:s29+$0x70C0] =	vst.add.f32.msk $0xffff, v13  }
0x166: {  	[tilespmem:s29+$0x90C0] =	vst.add.f32.msk $0xffff, v13  }
0x167: {  	[tilespmem:s29+$0x30D0] =	vst.add.f32.msk $0xffff, v14  }
0x168: {  	[tilespmem:s29+$0x50D0] =	vst.add.f32.msk $0xffff, v14  }
0x169: {  	[tilespmem:s29+$0x70D0] =	vst.add.f32.msk $0xffff, v14  }
0x16a: {  	[tilespmem:s29+$0x90D0] =	vst.add.f32.msk $0xffff, v14  }
0x16b: {  	[tilespmem:s29+$0x30E0] =	vst.add.f32.msk $0xffff, v15  }
.Ltmp1:
0x16c: {  	[tilespmem:s29+$0x50E0] =	vst.add.f32.msk $0xffff, v15;
	(pc) =	sbr.rel @p0 .LBB2_4-.Ltmp1, $4  }
0x16d: {  	[tilespmem:s29+$0x70E0] =	vst.add.f32.msk $0xffff, v15  }
0x16e: {  	[tilespmem:s29+$0x90E0] =	vst.add.f32.msk $0xffff, v15  }
0x16f: {  	[tilespmem:s29+$0x30F0] =	vst.add.f32.msk $0xffff, v0  }
0x170: {  	s31 =	sadd.s32 $0x400, s31;
	[tilespmem:s29+$0x50F0] =	vst.add.f32.msk $0xffff, v0  }
0x171: {  	[tilespmem:s29+$0x70F0] =	vst.add.f32.msk $0xffff, v0  }
0x172: {  	[hbm4b:s12+s2] =	stream.linear.scatter [tilespmem:s22], [sflag:$0x2], $0x1000, $0x38;
	[tilespmem:$0xA000] =	vst v63  }
0x173: {  	_ = 	snop  }
0x174: {  	[hbm4b:s13+s2] =	stream.linear.scatter [tilespmem:s23], [sflag:$0x2], $0x1000, $0x38;
	[tilespmem:$0xA000] =	vst v63  }
0x175: {  	_ = 	snop  }
0x176: {  	[hbm4b:s14+s2] =	stream.linear.scatter [tilespmem:s24], [sflag:$0x2], $0x1000, $0x38;
	[tilespmem:$0xA000] =	vst v63  }
0x177: {  	_ = 	snop  }
0x178: {  	[hbm4b:s15+s2] =	stream.linear.scatter [tilespmem:s25], [sflag:$0x2], $0x1000, $0x38;
	[tilespmem:$0xA000] =	vst v63  }
0x179: {  	_ =	swait.ge [sflag:s26], $0x1000  }
0x17a: {  	[sflag:s26] =	ssyncset.done $0x0  }
0x17b: {  	[sflag:s26] =	ssyncadd.s32 $0xFFFFF000  }
0x17c: {  	_ =	swait.ge [sflag:s26], $0x1000  }
0x17d: {  	[sflag:s26] =	ssyncset.done $0x0  }
0x17e: {  	[sflag:s26] =	ssyncadd.s32 $0xFFFFF000  }
0x17f: {  	_ =	swait.ge [sflag:s26], $0x1000  }
0x180: {  	[sflag:s26] =	ssyncset.done $0x0  }
0x181: {  	[sflag:s26] =	ssyncadd.s32 $0xFFFFF000  }
0x182: {  	_ =	swait.ge [sflag:s26], $0x1000  }
0x183: {  	[sflag:s26] =	ssyncset.done $0x0  }
0x184: {  	[sflag:s26] =	ssyncadd.s32 $0xFFFFF000  }
0x185: {  	_ =	swait.ge [sflag:s26], $0x1000  }
0x186: {  	[sflag:s26] =	ssyncset.done $0x0  }
0x187: {  	[sflag:s26] =	ssyncadd.s32 $0xFFFFF000  }
0x188: {  	_ =	swait.ge [sflag:s26], $0x1000  }
0x189: {  	[sflag:s26] =	ssyncset.done $0x0  }
0x18a: {  	s28 =	sadd.s32 $0x1, s28;
	[sflag:s26] =	ssyncadd.s32 $0xFFFFF000  }
0x18b: {  	p0 =	sne.s32 s28, s16;
	_ =	swait.ge [sflag:s26], $0x1000  }
.Ltmp2:
0x18c: {  	[sflag:s26] =	ssyncset.done $0x0;
	(pc) =	sbr.rel @p0 .LBB2_1-.Ltmp2, $4  }
0x18d: {  	[sflag:s26] =	ssyncadd.s32 $0xFFFFF000  }
0x18e: {  	_ =	swait.ge [sflag:s26], $0x1000  }
0x18f: {  	[sflag:s26] =	ssyncset.done $0x0  }
0x190: {  	[sflag:s26] =	ssyncadd.s32 $0xFFFFF000  }
0x191: {  	_ =	sfence.sel $0x180000  }
0x192: {  	[bflag:$0x0] =	sbarrier.arrive $0xFFFF  }
0x193: {  	p0 =	sne.s32 s1, $0x0;
	_ =	strace $0x90000047  }
0x194: {  	s0 =	sadd.s32 @!p0 $0x100000, s0;
	[bflag:$0x2] =	sbarrier.arrive $0xFFFF  }
0x195: {  	[sflag:s0] =	ssyncadd.tile.s32 @!p0 $0x1;
	_ =	shalt  }
.Lfunc_end2:
_tile_overlayer_lowered:
.L_overlay_start_2:
0x196: {  	(tag) =	ssettag $0x2  }
0x197: {  	s0 =	rddreg [dreg:$0x0];
	s2 =	stileid.u32  }
0x198: {  	s1 =	rddreg [dreg:$0x1];
	p0 =	sne.s32 s2, $0x0  }
0x199: {  	s3 =	rddreg [dreg:$0x2];
	[bflag:$0x3] =	sbarrier.arrive $0xFFFF;
	s2 =	simm.s32 @!p0 $0x1C03  }
0x19a: {  	[timem:s3], [sflag:s2] =	dma.local @!p0 [hbm:s0], s1  }
0x19b: {  	s0 =	simm.s32 @!p0 $0x3  }
0x19c: {  	_ =	swait.ge @!p0 [sflag:s0], s1  }
0x19d: {  	s1 =	ssub.s32 @!p0 $0x0, s1;
	[sflag:s0] =	ssyncset.done @!p0 $0x0  }
0x19e: {  	[sflag:s0] =	ssyncadd.s32 @!p0 s1  }
0x19f: {  	[bflag:$0x3] =	sbarrier.arrive $0xFFFF  }
0x1a0: {  	_ =	shalt  }

</sc_bundles>
